<compile_context>
chip_gen: v7x
topology: tpu7x:2x2x1
jax: 0.10.2.dev20260603
libtpu: 0.0.44.dev20260713+nightly
codegen_flags: <defaults>
</compile_context>

<pallas_src>
import jax
import jax.numpy as jnp
from jax import lax
from jax.experimental import pallas as pl
from jax.experimental.pallas import tpu as pltpu
from jax.experimental.pallas import tpu_sc as plsc

B = 128
H = 2048
L = 32768
K = 32
LT = 512
NT = L // LT
CH = 128
NCH = L // CH

_NW = 32
_RPW = B // _NW


def _enc_body(x_ref, w_ref, b_ref, z_ref):
    z = lax.dot_general(x_ref[...], w_ref[...], (((1,), (1,)), ((), ())),
                        preferred_element_type=jnp.float32)
    z_ref[...] = z + b_ref[...][None, :]


def _encode(x, W_enc, b_enc):
    return pl.pallas_call(
        _enc_body,
        grid=(NT,),
        in_specs=[
            pl.BlockSpec((B, H), lambda t: (0, 0)),
            pl.BlockSpec((LT, H), lambda t: (t, 0)),
            pl.BlockSpec((LT,), lambda t: (t,)),
        ],
        out_specs=pl.BlockSpec((B, LT), lambda t: (0, t)),
        out_shape=jax.ShapeDtypeStruct((B, L), jnp.float32),
    )(x, W_enc, b_enc)


def _sc_body(z_hbm, zsp_hbm, zrow, srow, mrow, vals_v, idx_v):
    c = lax.axis_index("c")
    s = lax.axis_index("s")
    wid = s * 2 + c
    io16 = lax.iota(jnp.int32, 16)
    zero16 = jnp.zeros((16,), jnp.float32)
    lane0 = io16 == 0

    def vmax(v):
        return plsc.cummax(v)[15]

    def vmin_i32(v):
        return -plsc.cummax(-v)[15]

    def st1(ref, i, val, dtype):
        plsc.store_scatter(ref, [jnp.full((16,), i, jnp.int32)],
                           jnp.full((16,), val, dtype), mask=lane0)

    def zero_body(i, carry):
        srow[pl.ds(i * 16, 16)] = zero16
        return carry

    lax.fori_loop(0, L // 16, zero_body, 0)

    def row_body(rr, carry):
        r = wid * _RPW + rr
        pltpu.sync_copy(z_hbm.at[r], zrow)

        def cm_body(ci, carry2):
            base = ci * CH
            m8 = zrow[pl.ds(base, 16)]
            for v in range(1, CH // 16):
                m8 = jnp.maximum(m8, zrow[pl.ds(base + v * 16, 16)])
            st1(mrow, ci, vmax(m8), jnp.float32)
            return carry2

        lax.fori_loop(0, NCH, cm_body, 0)

        def ex_body(k, carry2):
            mv = mrow[pl.ds(0, 16)]
            for v in range(1, NCH // 16):
                mv = jnp.maximum(mv, mrow[pl.ds(v * 16, 16)])
            m = vmax(mv)
            cmin = jnp.full((16,), NCH, jnp.int32)
            for v in range(NCH // 16):
                vv = mrow[pl.ds(v * 16, 16)]
                cmin = jnp.minimum(cmin, jnp.where(vv == m, io16 + v * 16, NCH))
            ci = vmin_i32(cmin)
            base = ci * CH
            pmin = jnp.full((16,), L, jnp.int32)
            for v in range(CH // 16):
                zv = zrow[pl.ds(base + v * 16, 16)]
                pmin = jnp.minimum(pmin, jnp.where(zv == m, io16 + v * 16, L))
            g = base + vmin_i32(pmin)
            st1(vals_v, k, m, jnp.float32)
            st1(idx_v, k, g, jnp.int32)
            st1(zrow, g, -jnp.inf, jnp.float32)
            m8 = zrow[pl.ds(base, 16)]
            for v in range(1, CH // 16):
                m8 = jnp.maximum(m8, zrow[pl.ds(base + v * 16, 16)])
            st1(mrow, ci, vmax(m8), jnp.float32)
            return carry2

        lax.fori_loop(0, K, ex_body, 0)

        for j in range(K // 16):
            iv = idx_v[pl.ds(j * 16, 16)]
            vv = vals_v[pl.ds(j * 16, 16)]
            plsc.store_scatter(srow, [iv], vv)
        pltpu.sync_copy(srow, zsp_hbm.at[r])
        for j in range(K // 16):
            iv = idx_v[pl.ds(j * 16, 16)]
            plsc.store_scatter(srow, [iv], zero16)
        return carry

    lax.fori_loop(0, _RPW, row_body, 0)


def _topk_scatter(z):
    mesh = plsc.VectorSubcoreMesh(core_axis_name="c", subcore_axis_name="s")
    return pl.kernel(
        _sc_body,
        out_type=jax.ShapeDtypeStruct((B, L), jnp.float32),
        mesh=mesh,
        compiler_params=pltpu.CompilerParams(needs_layout_passes=False),
        scratch_types=[
            pltpu.VMEM((L,), jnp.float32),
            pltpu.VMEM((L,), jnp.float32),
            pltpu.VMEM((NCH,), jnp.float32),
            pltpu.VMEM((K,), jnp.float32),
            pltpu.VMEM((K,), jnp.int32),
        ],
    )(z)


def _dec_body(zs_ref, w_ref, xh_ref):
    t = pl.program_id(0)
    part = lax.dot_general(zs_ref[...].astype(jnp.bfloat16),
                           w_ref[...].astype(jnp.bfloat16),
                           (((1,), (1,)), ((), ())),
                           preferred_element_type=jnp.float32)

    @pl.when(t == 0)
    def _():
        xh_ref[...] = part

    @pl.when(t != 0)
    def _():
        xh_ref[...] = xh_ref[...] + part


def _decode(z_sparse, W_dec):
    return pl.pallas_call(
        _dec_body,
        grid=(NT,),
        in_specs=[
            pl.BlockSpec((B, LT), lambda t: (0, t)),
            pl.BlockSpec((H, LT), lambda t: (0, t)),
        ],
        out_specs=pl.BlockSpec((B, H), lambda t: (0, 0)),
        out_shape=jax.ShapeDtypeStruct((B, H), jnp.float32),
    )(z_sparse, W_dec)


def kernel(x, W_enc, b_enc, W_dec):
    z = _encode(x, W_enc, b_enc)
    z_sparse = _topk_scatter(z)
    x_hat = _decode(z_sparse, W_dec)
    return (x_hat, z_sparse)

# --- scband reference (transcript-rebuilt; emitter-appended) ---
"""Pipeline reference for scband-sae-31430570672806 (READ-ONLY COPY).

The authoritative reference and input builder live on the scoring server;
editing this copy changes nothing except your own understanding.
"""

import jax, jax.numpy as jnp
import numpy as np

HIDDEN_DIM = 2048
LATENT_DIM = 32768
TOPK = 32


def setup_inputs(seed: int = 0) -> dict:
    key = jax.random.key(seed)
    k1, k2, k3 = jax.random.split(key, 3)
    x = jax.random.normal(k1, (128, HIDDEN_DIM), dtype=jnp.float32)
    # encoder: nn.Linear(hidden_dim, latent_dim) -> weight [latent, hidden], std 0.02, bias zeros
    W_enc = jax.random.normal(k2, (LATENT_DIM, HIDDEN_DIM), dtype=jnp.float32) * 0.02
    b_enc = jnp.zeros((LATENT_DIM,), dtype=jnp.float32)
    # decoder: nn.Linear(latent_dim, hidden_dim, bias=False) -> weight [hidden, latent], std 0.02
    W_dec = jax.random.normal(k3, (HIDDEN_DIM, LATENT_DIM), dtype=jnp.float32) * 0.02
    # normalize_decoder: F.normalize(weight, dim=0) -> unit-norm columns
    W_dec = W_dec / jnp.maximum(jnp.linalg.norm(W_dec, axis=0, keepdims=True), 1e-12)
    return {"x": x, "W_enc": W_enc, "b_enc": b_enc, "W_dec": W_dec}


def reference(x, W_enc, b_enc, W_dec):
    # encode: z = Linear(x); top-k sparsification via scatter of top-k values
    z = x @ W_enc.T + b_enc
    k = min(TOPK, z.shape[-1])
    values, indices = jax.lax.top_k(z, k)
    rows = jnp.arange(z.shape[0])[:, None]
    z_sparse = jnp.zeros_like(z).at[rows, indices].set(values)
    # decode: x_hat = z_sparse @ W_dec.T (no bias)
    x_hat = z_sparse @ W_dec.T
    return (x_hat, z_sparse)

if __name__ == "__main__":
    import jax
    _d = setup_inputs()
    print(jax.jit(kernel)(*tuple(_d.values())))

</pallas_src>

<mosaic_0001>
#map = affine_map<(d0, d1) -> (0, 0)>
module attributes {stable_mosaic.version = 14 : i64} {
  func.func @_sc_body(%arg0: i32, %arg1: i32, %arg2: memref<128x32768xf32, #tpu.memory_space<hbm>>, %arg3: memref<128x32768xf32, #tpu.memory_space<hbm>>, %arg4: memref<32768xf32, #tpu.memory_space<vmem>>, %arg5: memref<32768xf32, #tpu.memory_space<vmem>>, %arg6: memref<256xf32, #tpu.memory_space<vmem>>, %arg7: memref<32xf32, #tpu.memory_space<vmem>>, %arg8: memref<32xi32, #tpu.memory_space<vmem>>) attributes {dimension_semantics = [#tpu.dimension_semantics<core_parallel>, #tpu.dimension_semantics<subcore_parallel>], iteration_bounds = array<i64: 2, 16>, scalar_prefetch = 0 : i64, scratch_operands = 5 : i64, tpu.core_type = #tpu.core_type<sc_vector_subcore>, window_params = [{transform_indices = #map}, {transform_indices = #map}]} {
    %mul3A = arith.constant 2 : i32
    %mul3A_0 = arith.muli %arg1, %mul3A : i32
    %add3A = arith.addi %mul3A_0, %arg0 : i32
    %iota3A = tpu.iota {dimensions = array<i32: 0>} : vector<16xi32>
    %broadcast_in_dim3A = arith.constant 0.000000e+00 : f32
    %broadcast_in_dim3A_1 = vector.broadcast %broadcast_in_dim3A : f32 to vector<16xf32>
    %eq3A = arith.constant 0 : i32
    %eq3A_2 = vector.broadcast %eq3A : i32 to vector<16xi32>
    %eq3A_3 = arith.cmpi eq, %iota3A, %eq3A_2 : vector<16xi32>
    %scan3A = arith.constant 0 : i32
    %scan3A_4 = arith.constant 0 : i32
    %scan3A_5 = arith.constant 2048 : i32
    %scan3A_6 = arith.addi %scan3A_4, %scan3A_5 : i32
    %scan3A_7 = arith.constant 1 : i32
    scf.for %scan3A_15 = %scan3A_4 to %scan3A_6 step %scan3A_7  : i32 {
      %mul3A_16 = arith.constant 16 : i32
      %mul3A_17 = arith.muli %scan3A_15, %mul3A_16 : i32
      %swap3A = arith.index_cast %mul3A_17 : i32 to index
      %swap3A_18 = tpu.vector_load %arg5[%swap3A] {strides = array<i32>} : memref<32768xf32, #tpu.memory_space<vmem>>, vector<16xf32>,
      tpu.vector_store %arg5[%swap3A], %broadcast_in_dim3A_1 {strides = array<i32>} : memref<32768xf32, #tpu.memory_space<vmem>>, vector<16xf32>,
    }
    %scan3A_8 = arith.constant 2048 : i32
    %scan3A_9 = arith.constant 0 : i32
    %scan3A_10 = arith.constant 0 : i32
    %scan3A_11 = arith.constant 4 : i32
    %scan3A_12 = arith.addi %scan3A_10, %scan3A_11 : i32
    %scan3A_13 = arith.constant 1 : i32
    scf.for %scan3A_15 = %scan3A_10 to %scan3A_12 step %scan3A_13  : i32 {
      %mul3A_16 = arith.constant 4 : i32
      %mul3A_17 = arith.muli %add3A, %mul3A_16 : i32
      %add3A_18 = arith.addi %mul3A_17, %scan3A_15 : i32
      "tpu.region"() ({
        %run_scoped3A = tpu.sem_alloc : memref<!tpu.dma_semaphore, #tpu.memory_space<semaphore_mem>>
        %dma_start3A = arith.constant 0 : i32
        %dma_start3A_42 = tpu.memref_slice %arg2[%add3A_18, %dma_start3A] : memref<128x32768xf32, #tpu.memory_space<hbm>> -> memref<1x32768xf32, #tpu.memory_space<hbm>>
        %dma_start3A_43 = tpu.memref_squeeze %dma_start3A_42 : memref<1x32768xf32, #tpu.memory_space<hbm>> -> memref<32768xf32, #tpu.memory_space<hbm>>
        %dma_start3A_44 = arith.constant 0 : i32
        %dma_start3A_45 = tpu.memref_slice %arg2[%add3A_18, %dma_start3A_44] : memref<128x32768xf32, #tpu.memory_space<hbm>> -> memref<1x32768xf32, #tpu.memory_space<hbm>>
        %dma_start3A_46 = tpu.memref_squeeze %dma_start3A_45 : memref<1x32768xf32, #tpu.memory_space<hbm>> -> memref<32768xf32, #tpu.memory_space<hbm>>
        tpu.enqueue_dma source(%dma_start3A_46 : memref<32768xf32, #tpu.memory_space<hbm>>) target(%arg4 : memref<32768xf32, #tpu.memory_space<vmem>>) target_semaphore(%run_scoped3A : memref<!tpu.dma_semaphore, #tpu.memory_space<semaphore_mem>>)
        %dma_wait3A = arith.constant 0 : i32
        %dma_wait3A_47 = tpu.memref_slice %arg2[%add3A_18, %dma_wait3A] : memref<128x32768xf32, #tpu.memory_space<hbm>> -> memref<1x32768xf32, #tpu.memory_space<hbm>>
        %dma_wait3A_48 = tpu.memref_squeeze %dma_wait3A_47 : memref<1x32768xf32, #tpu.memory_space<hbm>> -> memref<32768xf32, #tpu.memory_space<hbm>>
        %dma_wait3A_49 = arith.constant 0 : i32
        %dma_wait3A_50 = tpu.memref_slice %arg2[%add3A_18, %dma_wait3A_49] : memref<128x32768xf32, #tpu.memory_space<hbm>> -> memref<1x32768xf32, #tpu.memory_space<hbm>>
        %dma_wait3A_51 = tpu.memref_squeeze %dma_wait3A_50 : memref<1x32768xf32, #tpu.memory_space<hbm>> -> memref<32768xf32, #tpu.memory_space<hbm>>
        tpu.wait_dma2 semaphore(%run_scoped3A : memref<!tpu.dma_semaphore, #tpu.memory_space<semaphore_mem>>) src(%dma_wait3A_51 : memref<32768xf32, #tpu.memory_space<hbm>>) dst(%arg4 : memref<32768xf32, #tpu.memory_space<vmem>>)
        tpu.yield
      }) : () -> ()
      %scan3A_19 = arith.constant 0 : i32
      %scan3A_20 = arith.constant 0 : i32
      %scan3A_21 = arith.constant 256 : i32
      %scan3A_22 = arith.addi %scan3A_20, %scan3A_21 : i32
      %scan3A_23 = arith.constant 1 : i32
      scf.for %scan3A_42 = %scan3A_20 to %scan3A_22 step %scan3A_23  : i32 {
        %mul3A_43 = arith.constant 128 : i32
        %mul3A_44 = arith.muli %scan3A_42, %mul3A_43 : i32
        %get3A_45 = arith.index_cast %mul3A_44 : i32 to index
        %get3A_46 = tpu.vector_load %arg4[%get3A_45] {strides = array<i32>} : memref<32768xf32, #tpu.memory_space<vmem>>, vector<16xf32>,
        %add3A_47 = arith.constant 16 : i32
        %add3A_48 = arith.addi %mul3A_44, %add3A_47 : i32
        %get3A_49 = arith.index_cast %add3A_48 : i32 to index
        %get3A_50 = tpu.vector_load %arg4[%get3A_49] {strides = array<i32>} : memref<32768xf32, #tpu.memory_space<vmem>>, vector<16xf32>,
        %max3A = arith.maximumf %get3A_46, %get3A_50 : vector<16xf32>
        %add3A_51 = arith.constant 32 : i32
        %add3A_52 = arith.addi %mul3A_44, %add3A_51 : i32
        %get3A_53 = arith.index_cast %add3A_52 : i32 to index
        %get3A_54 = tpu.vector_load %arg4[%get3A_53] {strides = array<i32>} : memref<32768xf32, #tpu.memory_space<vmem>>, vector<16xf32>,
        %max3A_55 = arith.maximumf %max3A, %get3A_54 : vector<16xf32>
        %add3A_56 = arith.constant 48 : i32
        %add3A_57 = arith.addi %mul3A_44, %add3A_56 : i32
        %get3A_58 = arith.index_cast %add3A_57 : i32 to index
        %get3A_59 = tpu.vector_load %arg4[%get3A_58] {strides = array<i32>} : memref<32768xf32, #tpu.memory_space<vmem>>, vector<16xf32>,
        %max3A_60 = arith.maximumf %max3A_55, %get3A_59 : vector<16xf32>
        %add3A_61 = arith.constant 64 : i32
        %add3A_62 = arith.addi %mul3A_44, %add3A_61 : i32
        %get3A_63 = arith.index_cast %add3A_62 : i32 to index
        %get3A_64 = tpu.vector_load %arg4[%get3A_63] {strides = array<i32>} : memref<32768xf32, #tpu.memory_space<vmem>>, vector<16xf32>,
        %max3A_65 = arith.maximumf %max3A_60, %get3A_64 : vector<16xf32>
        %add3A_66 = arith.constant 80 : i32
        %add3A_67 = arith.addi %mul3A_44, %add3A_66 : i32
        %get3A_68 = arith.index_cast %add3A_67 : i32 to index
        %get3A_69 = tpu.vector_load %arg4[%get3A_68] {strides = array<i32>} : memref<32768xf32, #tpu.memory_space<vmem>>, vector<16xf32>,
        %max3A_70 = arith.maximumf %max3A_65, %get3A_69 : vector<16xf32>
        %add3A_71 = arith.constant 96 : i32
        %add3A_72 = arith.addi %mul3A_44, %add3A_71 : i32
        %get3A_73 = arith.index_cast %add3A_72 : i32 to index
        %get3A_74 = tpu.vector_load %arg4[%get3A_73] {strides = array<i32>} : memref<32768xf32, #tpu.memory_space<vmem>>, vector<16xf32>,
        %max3A_75 = arith.maximumf %max3A_70, %get3A_74 : vector<16xf32>
        %add3A_76 = arith.constant 112 : i32
        %add3A_77 = arith.addi %mul3A_44, %add3A_76 : i32
        %get3A_78 = arith.index_cast %add3A_77 : i32 to index
        %get3A_79 = tpu.vector_load %arg4[%get3A_78] {strides = array<i32>} : memref<32768xf32, #tpu.memory_space<vmem>>, vector<16xf32>,
        %max3A_80 = arith.maximumf %max3A_75, %get3A_79 : vector<16xf32>
        %broadcast_in_dim3A_81 = arith.constant true
        %broadcast_in_dim3A_82 = vector.broadcast %broadcast_in_dim3A_81 : i1 to vector<16xi1>
        %masked_cummax3A = tpu.scan <max>, %max3A_80 masked %broadcast_in_dim3A_82 : vector<16xf32>, vector<16xi1> -> vector<16xf32>
        %slice3A = vector.extract_strided_slice %masked_cummax3A {offsets = [15], sizes = [1], strides = [1]} : vector<16xf32> to vector<1xf32>
        %squeeze3A = vector.extract %slice3A[0] : f32 from vector<1xf32>
        %broadcast_in_dim3A_83 = vector.broadcast %scan3A_42 : i32 to vector<16xi32>
        %broadcast_in_dim3A_84 = vector.broadcast %squeeze3A : f32 to vector<16xf32>
        tpu.vector_store_idx %arg6[%broadcast_in_dim3A_83], %broadcast_in_dim3A_84 masked %eq3A_3 : memref<256xf32, #tpu.memory_space<vmem>>[vector<16xi32>], vector<16xf32>, vector<16xi1>
      }
      %scan3A_24 = arith.constant 256 : i32
      %scan3A_25 = arith.constant 0 : i32
      %scan3A_26 = arith.constant 0 : i32
      %scan3A_27 = arith.constant 32 : i32
      %scan3A_28 = arith.addi %scan3A_26, %scan3A_27 : i32
      %scan3A_29 = arith.constant 1 : i32
      scf.for %scan3A_42 = %scan3A_26 to %scan3A_28 step %scan3A_29  : i32 {
        %get3A_43 = arith.constant 0 : index
        %get3A_44 = tpu.vector_load %arg6[%get3A_43] {strides = array<i32>} : memref<256xf32, #tpu.memory_space<vmem>>, vector<16xf32>,
        %get3A_45 = arith.constant 16 : index
        %get3A_46 = tpu.vector_load %arg6[%get3A_45] {strides = array<i32>} : memref<256xf32, #tpu.memory_space<vmem>>, vector<16xf32>,
        %max3A = arith.maximumf %get3A_44, %get3A_46 : vector<16xf32>
        %get3A_47 = arith.constant 32 : index
        %get3A_48 = tpu.vector_load %arg6[%get3A_47] {strides = array<i32>} : memref<256xf32, #tpu.memory_space<vmem>>, vector<16xf32>,
        %max3A_49 = arith.maximumf %max3A, %get3A_48 : vector<16xf32>
        %get3A_50 = arith.constant 48 : index
        %get3A_51 = tpu.vector_load %arg6[%get3A_50] {strides = array<i32>} : memref<256xf32, #tpu.memory_space<vmem>>, vector<16xf32>,
        %max3A_52 = arith.maximumf %max3A_49, %get3A_51 : vector<16xf32>
        %get3A_53 = arith.constant 64 : index
        %get3A_54 = tpu.vector_load %arg6[%get3A_53] {strides = array<i32>} : memref<256xf32, #tpu.memory_space<vmem>>, vector<16xf32>,
        %max3A_55 = arith.maximumf %max3A_52, %get3A_54 : vector<16xf32>
        %get3A_56 = arith.constant 80 : index
        %get3A_57 = tpu.vector_load %arg6[%get3A_56] {strides = array<i32>} : memref<256xf32, #tpu.memory_space<vmem>>, vector<16xf32>,
        %max3A_58 = arith.maximumf %max3A_55, %get3A_57 : vector<16xf32>
        %get3A_59 = arith.constant 96 : index
        %get3A_60 = tpu.vector_load %arg6[%get3A_59] {strides = array<i32>} : memref<256xf32, #tpu.memory_space<vmem>>, vector<16xf32>,
        %max3A_61 = arith.maximumf %max3A_58, %get3A_60 : vector<16xf32>
        %get3A_62 = arith.constant 112 : index
        %get3A_63 = tpu.vector_load %arg6[%get3A_62] {strides = array<i32>} : memref<256xf32, #tpu.memory_space<vmem>>, vector<16xf32>,
        %max3A_64 = arith.maximumf %max3A_61, %get3A_63 : vector<16xf32>
        %get3A_65 = arith.constant 128 : index
        %get3A_66 = tpu.vector_load %arg6[%get3A_65] {strides = array<i32>} : memref<256xf32, #tpu.memory_space<vmem>>, vector<16xf32>,
        %max3A_67 = arith.maximumf %max3A_64, %get3A_66 : vector<16xf32>
        %get3A_68 = arith.constant 144 : index
        %get3A_69 = tpu.vector_load %arg6[%get3A_68] {strides = array<i32>} : memref<256xf32, #tpu.memory_space<vmem>>, vector<16xf32>,
        %max3A_70 = arith.maximumf %max3A_67, %get3A_69 : vector<16xf32>
        %get3A_71 = arith.constant 160 : index
        %get3A_72 = tpu.vector_load %arg6[%get3A_71] {strides = array<i32>} : memref<256xf32, #tpu.memory_space<vmem>>, vector<16xf32>,
        %max3A_73 = arith.maximumf %max3A_70, %get3A_72 : vector<16xf32>
        %get3A_74 = arith.constant 176 : index
        %get3A_75 = tpu.vector_load %arg6[%get3A_74] {strides = array<i32>} : memref<256xf32, #tpu.memory_space<vmem>>, vector<16xf32>,
        %max3A_76 = arith.maximumf %max3A_73, %get3A_75 : vector<16xf32>
        %get3A_77 = arith.constant 192 : index
        %get3A_78 = tpu.vector_load %arg6[%get3A_77] {strides = array<i32>} : memref<256xf32, #tpu.memory_space<vmem>>, vector<16xf32>,
        %max3A_79 = arith.maximumf %max3A_76, %get3A_78 : vector<16xf32>
        %get3A_80 = arith.constant 208 : index
        %get3A_81 = tpu.vector_load %arg6[%get3A_80] {strides = array<i32>} : memref<256xf32, #tpu.memory_space<vmem>>, vector<16xf32>,
        %max3A_82 = arith.maximumf %max3A_79, %get3A_81 : vector<16xf32>
        %get3A_83 = arith.constant 224 : index
        %get3A_84 = tpu.vector_load %arg6[%get3A_83] {strides = array<i32>} : memref<256xf32, #tpu.memory_space<vmem>>, vector<16xf32>,
        %max3A_85 = arith.maximumf %max3A_82, %get3A_84 : vector<16xf32>
        %get3A_86 = arith.constant 240 : index
        %get3A_87 = tpu.vector_load %arg6[%get3A_86] {strides = array<i32>} : memref<256xf32, #tpu.memory_space<vmem>>, vector<16xf32>,
        %max3A_88 = arith.maximumf %max3A_85, %get3A_87 : vector<16xf32>
        %broadcast_in_dim3A_89 = arith.constant true
        %broadcast_in_dim3A_90 = vector.broadcast %broadcast_in_dim3A_89 : i1 to vector<16xi1>
        %masked_cummax3A = tpu.scan <max>, %max3A_88 masked %broadcast_in_dim3A_90 : vector<16xf32>, vector<16xi1> -> vector<16xf32>
        %slice3A = vector.extract_strided_slice %masked_cummax3A {offsets = [15], sizes = [1], strides = [1]} : vector<16xf32> to vector<1xf32>
        %squeeze3A = vector.extract %slice3A[0] : f32 from vector<1xf32>
        %broadcast_in_dim3A_91 = arith.constant 256 : i32
        %broadcast_in_dim3A_92 = vector.broadcast %broadcast_in_dim3A_91 : i32 to vector<16xi32>
        %get3A_93 = arith.constant 0 : index
        %get3A_94 = tpu.vector_load %arg6[%get3A_93] {strides = array<i32>} : memref<256xf32, #tpu.memory_space<vmem>>, vector<16xf32>,
        %eq3A_95 = vector.broadcast %squeeze3A : f32 to vector<16xf32>
        %eq3A_96 = arith.cmpf oeq, %get3A_94, %eq3A_95 : vector<16xf32>
        %add3A_97 = arith.constant 0 : i32
        %add3A_98 = vector.broadcast %add3A_97 : i32 to vector<16xi32>
        %add3A_99 = arith.addi %iota3A, %add3A_98 : vector<16xi32>
        %jit3A = arith.constant 256 : i32
        %broadcast_in_dim3A_100 = vector.broadcast %jit3A : i32 to vector<16xi32>
        %select_n3A = arith.select %eq3A_96, %add3A_99, %broadcast_in_dim3A_100 : vector<16xi1>, vector<16xi32>
        %min3A = arith.minsi %broadcast_in_dim3A_92, %select_n3A : vector<16xi32>
        %get3A_101 = arith.constant 16 : index
        %get3A_102 = tpu.vector_load %arg6[%get3A_101] {strides = array<i32>} : memref<256xf32, #tpu.memory_space<vmem>>, vector<16xf32>,
        %eq3A_103 = vector.broadcast %squeeze3A : f32 to vector<16xf32>
        %eq3A_104 = arith.cmpf oeq, %get3A_102, %eq3A_103 : vector<16xf32>
        %add3A_105 = arith.constant 16 : i32
        %add3A_106 = vector.broadcast %add3A_105 : i32 to vector<16xi32>
        %add3A_107 = arith.addi %iota3A, %add3A_106 : vector<16xi32>
        %jit3A_108 = arith.constant 256 : i32
        %broadcast_in_dim3A_109 = vector.broadcast %jit3A_108 : i32 to vector<16xi32>
        %select_n3A_110 = arith.select %eq3A_104, %add3A_107, %broadcast_in_dim3A_109 : vector<16xi1>, vector<16xi32>
        %min3A_111 = arith.minsi %min3A, %select_n3A_110 : vector<16xi32>
        %get3A_112 = arith.constant 32 : index
        %get3A_113 = tpu.vector_load %arg6[%get3A_112] {strides = array<i32>} : memref<256xf32, #tpu.memory_space<vmem>>, vector<16xf32>,
        %eq3A_114 = vector.broadcast %squeeze3A : f32 to vector<16xf32>
        %eq3A_115 = arith.cmpf oeq, %get3A_113, %eq3A_114 : vector<16xf32>
        %add3A_116 = arith.constant 32 : i32
        %add3A_117 = vector.broadcast %add3A_116 : i32 to vector<16xi32>
        %add3A_118 = arith.addi %iota3A, %add3A_117 : vector<16xi32>
        %jit3A_119 = arith.constant 256 : i32
        %broadcast_in_dim3A_120 = vector.broadcast %jit3A_119 : i32 to vector<16xi32>
        %select_n3A_121 = arith.select %eq3A_115, %add3A_118, %broadcast_in_dim3A_120 : vector<16xi1>, vector<16xi32>
        %min3A_122 = arith.minsi %min3A_111, %select_n3A_121 : vector<16xi32>
        %get3A_123 = arith.constant 48 : index
        %get3A_124 = tpu.vector_load %arg6[%get3A_123] {strides = array<i32>} : memref<256xf32, #tpu.memory_space<vmem>>, vector<16xf32>,
        %eq3A_125 = vector.broadcast %squeeze3A : f32 to vector<16xf32>
        %eq3A_126 = arith.cmpf oeq, %get3A_124, %eq3A_125 : vector<16xf32>
        %add3A_127 = arith.constant 48 : i32
        %add3A_128 = vector.broadcast %add3A_127 : i32 to vector<16xi32>
        %add3A_129 = arith.addi %iota3A, %add3A_128 : vector<16xi32>
        %jit3A_130 = arith.constant 256 : i32
        %broadcast_in_dim3A_131 = vector.broadcast %jit3A_130 : i32 to vector<16xi32>
        %select_n3A_132 = arith.select %eq3A_126, %add3A_129, %broadcast_in_dim3A_131 : vector<16xi1>, vector<16xi32>
        %min3A_133 = arith.minsi %min3A_122, %select_n3A_132 : vector<16xi32>
        %get3A_134 = arith.constant 64 : index
        %get3A_135 = tpu.vector_load %arg6[%get3A_134] {strides = array<i32>} : memref<256xf32, #tpu.memory_space<vmem>>, vector<16xf32>,
        %eq3A_136 = vector.broadcast %squeeze3A : f32 to vector<16xf32>
        %eq3A_137 = arith.cmpf oeq, %get3A_135, %eq3A_136 : vector<16xf32>
        %add3A_138 = arith.constant 64 : i32
        %add3A_139 = vector.broadcast %add3A_138 : i32 to vector<16xi32>
        %add3A_140 = arith.addi %iota3A, %add3A_139 : vector<16xi32>
        %jit3A_141 = arith.constant 256 : i32
        %broadcast_in_dim3A_142 = vector.broadcast %jit3A_141 : i32 to vector<16xi32>
        %select_n3A_143 = arith.select %eq3A_137, %add3A_140, %broadcast_in_dim3A_142 : vector<16xi1>, vector<16xi32>
        %min3A_144 = arith.minsi %min3A_133, %select_n3A_143 : vector<16xi32>
        %get3A_145 = arith.constant 80 : index
        %get3A_146 = tpu.vector_load %arg6[%get3A_145] {strides = array<i32>} : memref<256xf32, #tpu.memory_space<vmem>>, vector<16xf32>,
        %eq3A_147 = vector.broadcast %squeeze3A : f32 to vector<16xf32>
        %eq3A_148 = arith.cmpf oeq, %get3A_146, %eq3A_147 : vector<16xf32>
        %add3A_149 = arith.constant 80 : i32
        %add3A_150 = vector.broadcast %add3A_149 : i32 to vector<16xi32>
        %add3A_151 = arith.addi %iota3A, %add3A_150 : vector<16xi32>
        %jit3A_152 = arith.constant 256 : i32
        %broadcast_in_dim3A_153 = vector.broadcast %jit3A_152 : i32 to vector<16xi32>
        %select_n3A_154 = arith.select %eq3A_148, %add3A_151, %broadcast_in_dim3A_153 : vector<16xi1>, vector<16xi32>
        %min3A_155 = arith.minsi %min3A_144, %select_n3A_154 : vector<16xi32>
        %get3A_156 = arith.constant 96 : index
        %get3A_157 = tpu.vector_load %arg6[%get3A_156] {strides = array<i32>} : memref<256xf32, #tpu.memory_space<vmem>>, vector<16xf32>,
        %eq3A_158 = vector.broadcast %squeeze3A : f32 to vector<16xf32>
        %eq3A_159 = arith.cmpf oeq, %get3A_157, %eq3A_158 : vector<16xf32>
        %add3A_160 = arith.constant 96 : i32
        %add3A_161 = vector.broadcast %add3A_160 : i32 to vector<16xi32>
        %add3A_162 = arith.addi %iota3A, %add3A_161 : vector<16xi32>
        %jit3A_163 = arith.constant 256 : i32
        %broadcast_in_dim3A_164 = vector.broadcast %jit3A_163 : i32 to vector<16xi32>
        %select_n3A_165 = arith.select %eq3A_159, %add3A_162, %broadcast_in_dim3A_164 : vector<16xi1>, vector<16xi32>
        %min3A_166 = arith.minsi %min3A_155, %select_n3A_165 : vector<16xi32>
        %get3A_167 = arith.constant 112 : index
        %get3A_168 = tpu.vector_load %arg6[%get3A_167] {strides = array<i32>} : memref<256xf32, #tpu.memory_space<vmem>>, vector<16xf32>,
        %eq3A_169 = vector.broadcast %squeeze3A : f32 to vector<16xf32>
        %eq3A_170 = arith.cmpf oeq, %get3A_168, %eq3A_169 : vector<16xf32>
        %add3A_171 = arith.constant 112 : i32
        %add3A_172 = vector.broadcast %add3A_171 : i32 to vector<16xi32>
        %add3A_173 = arith.addi %iota3A, %add3A_172 : vector<16xi32>
        %jit3A_174 = arith.constant 256 : i32
        %broadcast_in_dim3A_175 = vector.broadcast %jit3A_174 : i32 to vector<16xi32>
        %select_n3A_176 = arith.select %eq3A_170, %add3A_173, %broadcast_in_dim3A_175 : vector<16xi1>, vector<16xi32>
        %min3A_177 = arith.minsi %min3A_166, %select_n3A_176 : vector<16xi32>
        %get3A_178 = arith.constant 128 : index
        %get3A_179 = tpu.vector_load %arg6[%get3A_178] {strides = array<i32>} : memref<256xf32, #tpu.memory_space<vmem>>, vector<16xf32>,
        %eq3A_180 = vector.broadcast %squeeze3A : f32 to vector<16xf32>
        %eq3A_181 = arith.cmpf oeq, %get3A_179, %eq3A_180 : vector<16xf32>
        %add3A_182 = arith.constant 128 : i32
        %add3A_183 = vector.broadcast %add3A_182 : i32 to vector<16xi32>
        %add3A_184 = arith.addi %iota3A, %add3A_183 : vector<16xi32>
        %jit3A_185 = arith.constant 256 : i32
        %broadcast_in_dim3A_186 = vector.broadcast %jit3A_185 : i32 to vector<16xi32>
        %select_n3A_187 = arith.select %eq3A_181, %add3A_184, %broadcast_in_dim3A_186 : vector<16xi1>, vector<16xi32>
        %min3A_188 = arith.minsi %min3A_177, %select_n3A_187 : vector<16xi32>
        %get3A_189 = arith.constant 144 : index
        %get3A_190 = tpu.vector_load %arg6[%get3A_189] {strides = array<i32>} : memref<256xf32, #tpu.memory_space<vmem>>, vector<16xf32>,
        %eq3A_191 = vector.broadcast %squeeze3A : f32 to vector<16xf32>
        %eq3A_192 = arith.cmpf oeq, %get3A_190, %eq3A_191 : vector<16xf32>
        %add3A_193 = arith.constant 144 : i32
        %add3A_194 = vector.broadcast %add3A_193 : i32 to vector<16xi32>
        %add3A_195 = arith.addi %iota3A, %add3A_194 : vector<16xi32>
        %jit3A_196 = arith.constant 256 : i32
        %broadcast_in_dim3A_197 = vector.broadcast %jit3A_196 : i32 to vector<16xi32>
        %select_n3A_198 = arith.select %eq3A_192, %add3A_195, %broadcast_in_dim3A_197 : vector<16xi1>, vector<16xi32>
        %min3A_199 = arith.minsi %min3A_188, %select_n3A_198 : vector<16xi32>
        %get3A_200 = arith.constant 160 : index
        %get3A_201 = tpu.vector_load %arg6[%get3A_200] {strides = array<i32>} : memref<256xf32, #tpu.memory_space<vmem>>, vector<16xf32>,
        %eq3A_202 = vector.broadcast %squeeze3A : f32 to vector<16xf32>
        %eq3A_203 = arith.cmpf oeq, %get3A_201, %eq3A_202 : vector<16xf32>
        %add3A_204 = arith.constant 160 : i32
        %add3A_205 = vector.broadcast %add3A_204 : i32 to vector<16xi32>
        %add3A_206 = arith.addi %iota3A, %add3A_205 : vector<16xi32>
        %jit3A_207 = arith.constant 256 : i32
        %broadcast_in_dim3A_208 = vector.broadcast %jit3A_207 : i32 to vector<16xi32>
        %select_n3A_209 = arith.select %eq3A_203, %add3A_206, %broadcast_in_dim3A_208 : vector<16xi1>, vector<16xi32>
        %min3A_210 = arith.minsi %min3A_199, %select_n3A_209 : vector<16xi32>
        %get3A_211 = arith.constant 176 : index
        %get3A_212 = tpu.vector_load %arg6[%get3A_211] {strides = array<i32>} : memref<256xf32, #tpu.memory_space<vmem>>, vector<16xf32>,
        %eq3A_213 = vector.broadcast %squeeze3A : f32 to vector<16xf32>
        %eq3A_214 = arith.cmpf oeq, %get3A_212, %eq3A_213 : vector<16xf32>
        %add3A_215 = arith.constant 176 : i32
        %add3A_216 = vector.broadcast %add3A_215 : i32 to vector<16xi32>
        %add3A_217 = arith.addi %iota3A, %add3A_216 : vector<16xi32>
        %jit3A_218 = arith.constant 256 : i32
        %broadcast_in_dim3A_219 = vector.broadcast %jit3A_218 : i32 to vector<16xi32>
        %select_n3A_220 = arith.select %eq3A_214, %add3A_217, %broadcast_in_dim3A_219 : vector<16xi1>, vector<16xi32>
        %min3A_221 = arith.minsi %min3A_210, %select_n3A_220 : vector<16xi32>
        %get3A_222 = arith.constant 192 : index
        %get3A_223 = tpu.vector_load %arg6[%get3A_222] {strides = array<i32>} : memref<256xf32, #tpu.memory_space<vmem>>, vector<16xf32>,
        %eq3A_224 = vector.broadcast %squeeze3A : f32 to vector<16xf32>
        %eq3A_225 = arith.cmpf oeq, %get3A_223, %eq3A_224 : vector<16xf32>
        %add3A_226 = arith.constant 192 : i32
        %add3A_227 = vector.broadcast %add3A_226 : i32 to vector<16xi32>
        %add3A_228 = arith.addi %iota3A, %add3A_227 : vector<16xi32>
        %jit3A_229 = arith.constant 256 : i32
        %broadcast_in_dim3A_230 = vector.broadcast %jit3A_229 : i32 to vector<16xi32>
        %select_n3A_231 = arith.select %eq3A_225, %add3A_228, %broadcast_in_dim3A_230 : vector<16xi1>, vector<16xi32>
        %min3A_232 = arith.minsi %min3A_221, %select_n3A_231 : vector<16xi32>
        %get3A_233 = arith.constant 208 : index
        %get3A_234 = tpu.vector_load %arg6[%get3A_233] {strides = array<i32>} : memref<256xf32, #tpu.memory_space<vmem>>, vector<16xf32>,
        %eq3A_235 = vector.broadcast %squeeze3A : f32 to vector<16xf32>
        %eq3A_236 = arith.cmpf oeq, %get3A_234, %eq3A_235 : vector<16xf32>
        %add3A_237 = arith.constant 208 : i32
        %add3A_238 = vector.broadcast %add3A_237 : i32 to vector<16xi32>
        %add3A_239 = arith.addi %iota3A, %add3A_238 : vector<16xi32>
        %jit3A_240 = arith.constant 256 : i32
        %broadcast_in_dim3A_241 = vector.broadcast %jit3A_240 : i32 to vector<16xi32>
        %select_n3A_242 = arith.select %eq3A_236, %add3A_239, %broadcast_in_dim3A_241 : vector<16xi1>, vector<16xi32>
        %min3A_243 = arith.minsi %min3A_232, %select_n3A_242 : vector<16xi32>
        %get3A_244 = arith.constant 224 : index
        %get3A_245 = tpu.vector_load %arg6[%get3A_244] {strides = array<i32>} : memref<256xf32, #tpu.memory_space<vmem>>, vector<16xf32>,
        %eq3A_246 = vector.broadcast %squeeze3A : f32 to vector<16xf32>
        %eq3A_247 = arith.cmpf oeq, %get3A_245, %eq3A_246 : vector<16xf32>
        %add3A_248 = arith.constant 224 : i32
        %add3A_249 = vector.broadcast %add3A_248 : i32 to vector<16xi32>
        %add3A_250 = arith.addi %iota3A, %add3A_249 : vector<16xi32>
        %jit3A_251 = arith.constant 256 : i32
        %broadcast_in_dim3A_252 = vector.broadcast %jit3A_251 : i32 to vector<16xi32>
        %select_n3A_253 = arith.select %eq3A_247, %add3A_250, %broadcast_in_dim3A_252 : vector<16xi1>, vector<16xi32>
        %min3A_254 = arith.minsi %min3A_243, %select_n3A_253 : vector<16xi32>
        %get3A_255 = arith.constant 240 : index
        %get3A_256 = tpu.vector_load %arg6[%get3A_255] {strides = array<i32>} : memref<256xf32, #tpu.memory_space<vmem>>, vector<16xf32>,
        %eq3A_257 = vector.broadcast %squeeze3A : f32 to vector<16xf32>
        %eq3A_258 = arith.cmpf oeq, %get3A_256, %eq3A_257 : vector<16xf32>
        %add3A_259 = arith.constant 240 : i32
        %add3A_260 = vector.broadcast %add3A_259 : i32 to vector<16xi32>
        %add3A_261 = arith.addi %iota3A, %add3A_260 : vector<16xi32>
        %jit3A_262 = arith.constant 256 : i32
        %broadcast_in_dim3A_263 = vector.broadcast %jit3A_262 : i32 to vector<16xi32>
        %select_n3A_264 = arith.select %eq3A_258, %add3A_261, %broadcast_in_dim3A_263 : vector<16xi1>, vector<16xi32>
        %min3A_265 = arith.minsi %min3A_254, %select_n3A_264 : vector<16xi32>
        %neg3A = arith.constant 0 : i32
        %neg3A_266 = vector.broadcast %neg3A : i32 to vector<16xi32>
        %neg3A_267 = arith.subi %neg3A_266, %min3A_265 : vector<16xi32>
        %broadcast_in_dim3A_268 = arith.constant true
        %broadcast_in_dim3A_269 = vector.broadcast %broadcast_in_dim3A_268 : i1 to vector<16xi1>
        %masked_cummax3A_270 = arith.constant -2147483648 : i32
        %masked_cummax3A_271 = vector.broadcast %masked_cummax3A_270 : i32 to vector<16xi32>
        %masked_cummax3A_272 = arith.xori %neg3A_267, %masked_cummax3A_271 : vector<16xi32>
        %masked_cummax3A_273 = tpu.scan <max>, %masked_cummax3A_272 masked %broadcast_in_dim3A_269 : vector<16xi32>, vector<16xi1> -> vector<16xi32>
        %masked_cummax3A_274 = arith.xori %masked_cummax3A_273, %masked_cummax3A_271 : vector<16xi32>
        %slice3A_275 = vector.extract_strided_slice %masked_cummax3A_274 {offsets = [15], sizes = [1], strides = [1]} : vector<16xi32> to vector<1xi32>
        %squeeze3A_276 = vector.extract %slice3A_275[0] : i32 from vector<1xi32>
        %neg3A_277 = arith.constant 0 : i32
        %neg3A_278 = arith.subi %neg3A_277, %squeeze3A_276 : i32
        %mul3A_279 = arith.constant 128 : i32
        %mul3A_280 = arith.muli %neg3A_278, %mul3A_279 : i32
        %broadcast_in_dim3A_281 = arith.constant 32768 : i32
        %broadcast_in_dim3A_282 = vector.broadcast %broadcast_in_dim3A_281 : i32 to vector<16xi32>
        %add3A_283 = arith.constant 0 : i32
        %add3A_284 = arith.addi %mul3A_280, %add3A_283 : i32
        %get3A_285 = arith.index_cast %add3A_284 : i32 to index
        %get3A_286 = tpu.vector_load %arg4[%get3A_285] {strides = array<i32>} : memref<32768xf32, #tpu.memory_space<vmem>>, vector<16xf32>,
        %eq3A_287 = vector.broadcast %squeeze3A : f32 to vector<16xf32>
        %eq3A_288 = arith.cmpf oeq, %get3A_286, %eq3A_287 : vector<16xf32>
        %add3A_289 = arith.constant 0 : i32
        %add3A_290 = vector.broadcast %add3A_289 : i32 to vector<16xi32>
        %add3A_291 = arith.addi %iota3A, %add3A_290 : vector<16xi32>
        %jit3A_292 = arith.constant 32768 : i32
        %broadcast_in_dim3A_293 = vector.broadcast %jit3A_292 : i32 to vector<16xi32>
        %select_n3A_294 = arith.select %eq3A_288, %add3A_291, %broadcast_in_dim3A_293 : vector<16xi1>, vector<16xi32>
        %min3A_295 = arith.minsi %broadcast_in_dim3A_282, %select_n3A_294 : vector<16xi32>
        %add3A_296 = arith.constant 16 : i32
        %add3A_297 = arith.addi %mul3A_280, %add3A_296 : i32
        %get3A_298 = arith.index_cast %add3A_297 : i32 to index
        %get3A_299 = tpu.vector_load %arg4[%get3A_298] {strides = array<i32>} : memref<32768xf32, #tpu.memory_space<vmem>>, vector<16xf32>,
        %eq3A_300 = vector.broadcast %squeeze3A : f32 to vector<16xf32>
        %eq3A_301 = arith.cmpf oeq, %get3A_299, %eq3A_300 : vector<16xf32>
        %add3A_302 = arith.constant 16 : i32
        %add3A_303 = vector.broadcast %add3A_302 : i32 to vector<16xi32>
        %add3A_304 = arith.addi %iota3A, %add3A_303 : vector<16xi32>
        %jit3A_305 = arith.constant 32768 : i32
        %broadcast_in_dim3A_306 = vector.broadcast %jit3A_305 : i32 to vector<16xi32>
        %select_n3A_307 = arith.select %eq3A_301, %add3A_304, %broadcast_in_dim3A_306 : vector<16xi1>, vector<16xi32>
        %min3A_308 = arith.minsi %min3A_295, %select_n3A_307 : vector<16xi32>
        %add3A_309 = arith.constant 32 : i32
        %add3A_310 = arith.addi %mul3A_280, %add3A_309 : i32
        %get3A_311 = arith.index_cast %add3A_310 : i32 to index
        %get3A_312 = tpu.vector_load %arg4[%get3A_311] {strides = array<i32>} : memref<32768xf32, #tpu.memory_space<vmem>>, vector<16xf32>,
        %eq3A_313 = vector.broadcast %squeeze3A : f32 to vector<16xf32>
        %eq3A_314 = arith.cmpf oeq, %get3A_312, %eq3A_313 : vector<16xf32>
        %add3A_315 = arith.constant 32 : i32
        %add3A_316 = vector.broadcast %add3A_315 : i32 to vector<16xi32>
        %add3A_317 = arith.addi %iota3A, %add3A_316 : vector<16xi32>
        %jit3A_318 = arith.constant 32768 : i32
        %broadcast_in_dim3A_319 = vector.broadcast %jit3A_318 : i32 to vector<16xi32>
        %select_n3A_320 = arith.select %eq3A_314, %add3A_317, %broadcast_in_dim3A_319 : vector<16xi1>, vector<16xi32>
        %min3A_321 = arith.minsi %min3A_308, %select_n3A_320 : vector<16xi32>
        %add3A_322 = arith.constant 48 : i32
        %add3A_323 = arith.addi %mul3A_280, %add3A_322 : i32
        %get3A_324 = arith.index_cast %add3A_323 : i32 to index
        %get3A_325 = tpu.vector_load %arg4[%get3A_324] {strides = array<i32>} : memref<32768xf32, #tpu.memory_space<vmem>>, vector<16xf32>,
        %eq3A_326 = vector.broadcast %squeeze3A : f32 to vector<16xf32>
        %eq3A_327 = arith.cmpf oeq, %get3A_325, %eq3A_326 : vector<16xf32>
        %add3A_328 = arith.constant 48 : i32
        %add3A_329 = vector.broadcast %add3A_328 : i32 to vector<16xi32>
        %add3A_330 = arith.addi %iota3A, %add3A_329 : vector<16xi32>
        %jit3A_331 = arith.constant 32768 : i32
        %broadcast_in_dim3A_332 = vector.broadcast %jit3A_331 : i32 to vector<16xi32>
        %select_n3A_333 = arith.select %eq3A_327, %add3A_330, %broadcast_in_dim3A_332 : vector<16xi1>, vector<16xi32>
        %min3A_334 = arith.minsi %min3A_321, %select_n3A_333 : vector<16xi32>
        %add3A_335 = arith.constant 64 : i32
        %add3A_336 = arith.addi %mul3A_280, %add3A_335 : i32
        %get3A_337 = arith.index_cast %add3A_336 : i32 to index
        %get3A_338 = tpu.vector_load %arg4[%get3A_337] {strides = array<i32>} : memref<32768xf32, #tpu.memory_space<vmem>>, vector<16xf32>,
        %eq3A_339 = vector.broadcast %squeeze3A : f32 to vector<16xf32>
        %eq3A_340 = arith.cmpf oeq, %get3A_338, %eq3A_339 : vector<16xf32>
        %add3A_341 = arith.constant 64 : i32
        %add3A_342 = vector.broadcast %add3A_341 : i32 to vector<16xi32>
        %add3A_343 = arith.addi %iota3A, %add3A_342 : vector<16xi32>
        %jit3A_344 = arith.constant 32768 : i32
        %broadcast_in_dim3A_345 = vector.broadcast %jit3A_344 : i32 to vector<16xi32>
        %select_n3A_346 = arith.select %eq3A_340, %add3A_343, %broadcast_in_dim3A_345 : vector<16xi1>, vector<16xi32>
        %min3A_347 = arith.minsi %min3A_334, %select_n3A_346 : vector<16xi32>
        %add3A_348 = arith.constant 80 : i32
        %add3A_349 = arith.addi %mul3A_280, %add3A_348 : i32
        %get3A_350 = arith.index_cast %add3A_349 : i32 to index
        %get3A_351 = tpu.vector_load %arg4[%get3A_350] {strides = array<i32>} : memref<32768xf32, #tpu.memory_space<vmem>>, vector<16xf32>,
        %eq3A_352 = vector.broadcast %squeeze3A : f32 to vector<16xf32>
        %eq3A_353 = arith.cmpf oeq, %get3A_351, %eq3A_352 : vector<16xf32>
        %add3A_354 = arith.constant 80 : i32
        %add3A_355 = vector.broadcast %add3A_354 : i32 to vector<16xi32>
        %add3A_356 = arith.addi %iota3A, %add3A_355 : vector<16xi32>
        %jit3A_357 = arith.constant 32768 : i32
        %broadcast_in_dim3A_358 = vector.broadcast %jit3A_357 : i32 to vector<16xi32>
        %select_n3A_359 = arith.select %eq3A_353, %add3A_356, %broadcast_in_dim3A_358 : vector<16xi1>, vector<16xi32>
        %min3A_360 = arith.minsi %min3A_347, %select_n3A_359 : vector<16xi32>
        %add3A_361 = arith.constant 96 : i32
        %add3A_362 = arith.addi %mul3A_280, %add3A_361 : i32
        %get3A_363 = arith.index_cast %add3A_362 : i32 to index
        %get3A_364 = tpu.vector_load %arg4[%get3A_363] {strides = array<i32>} : memref<32768xf32, #tpu.memory_space<vmem>>, vector<16xf32>,
        %eq3A_365 = vector.broadcast %squeeze3A : f32 to vector<16xf32>
        %eq3A_366 = arith.cmpf oeq, %get3A_364, %eq3A_365 : vector<16xf32>
        %add3A_367 = arith.constant 96 : i32
        %add3A_368 = vector.broadcast %add3A_367 : i32 to vector<16xi32>
        %add3A_369 = arith.addi %iota3A, %add3A_368 : vector<16xi32>
        %jit3A_370 = arith.constant 32768 : i32
        %broadcast_in_dim3A_371 = vector.broadcast %jit3A_370 : i32 to vector<16xi32>
        %select_n3A_372 = arith.select %eq3A_366, %add3A_369, %broadcast_in_dim3A_371 : vector<16xi1>, vector<16xi32>
        %min3A_373 = arith.minsi %min3A_360, %select_n3A_372 : vector<16xi32>
        %add3A_374 = arith.constant 112 : i32
        %add3A_375 = arith.addi %mul3A_280, %add3A_374 : i32
        %get3A_376 = arith.index_cast %add3A_375 : i32 to index
        %get3A_377 = tpu.vector_load %arg4[%get3A_376] {strides = array<i32>} : memref<32768xf32, #tpu.memory_space<vmem>>, vector<16xf32>,
        %eq3A_378 = vector.broadcast %squeeze3A : f32 to vector<16xf32>
        %eq3A_379 = arith.cmpf oeq, %get3A_377, %eq3A_378 : vector<16xf32>
        %add3A_380 = arith.constant 112 : i32
        %add3A_381 = vector.broadcast %add3A_380 : i32 to vector<16xi32>
        %add3A_382 = arith.addi %iota3A, %add3A_381 : vector<16xi32>
        %jit3A_383 = arith.constant 32768 : i32
        %broadcast_in_dim3A_384 = vector.broadcast %jit3A_383 : i32 to vector<16xi32>
        %select_n3A_385 = arith.select %eq3A_379, %add3A_382, %broadcast_in_dim3A_384 : vector<16xi1>, vector<16xi32>
        %min3A_386 = arith.minsi %min3A_373, %select_n3A_385 : vector<16xi32>
        %neg3A_387 = arith.constant 0 : i32
        %neg3A_388 = vector.broadcast %neg3A_387 : i32 to vector<16xi32>
        %neg3A_389 = arith.subi %neg3A_388, %min3A_386 : vector<16xi32>
        %broadcast_in_dim3A_390 = arith.constant true
        %broadcast_in_dim3A_391 = vector.broadcast %broadcast_in_dim3A_390 : i1 to vector<16xi1>
        %masked_cummax3A_392 = arith.constant -2147483648 : i32
        %masked_cummax3A_393 = vector.broadcast %masked_cummax3A_392 : i32 to vector<16xi32>
        %masked_cummax3A_394 = arith.xori %neg3A_389, %masked_cummax3A_393 : vector<16xi32>
        %masked_cummax3A_395 = tpu.scan <max>, %masked_cummax3A_394 masked %broadcast_in_dim3A_391 : vector<16xi32>, vector<16xi1> -> vector<16xi32>
        %masked_cummax3A_396 = arith.xori %masked_cummax3A_395, %masked_cummax3A_393 : vector<16xi32>
        %slice3A_397 = vector.extract_strided_slice %masked_cummax3A_396 {offsets = [15], sizes = [1], strides = [1]} : vector<16xi32> to vector<1xi32>
        %squeeze3A_398 = vector.extract %slice3A_397[0] : i32 from vector<1xi32>
        %neg3A_399 = arith.constant 0 : i32
        %neg3A_400 = arith.subi %neg3A_399, %squeeze3A_398 : i32
        %add3A_401 = arith.addi %mul3A_280, %neg3A_400 : i32
        %broadcast_in_dim3A_402 = vector.broadcast %scan3A_42 : i32 to vector<16xi32>
        %broadcast_in_dim3A_403 = vector.broadcast %squeeze3A : f32 to vector<16xf32>
        tpu.vector_store_idx %arg7[%broadcast_in_dim3A_402], %broadcast_in_dim3A_403 masked %eq3A_3 : memref<32xf32, #tpu.memory_space<vmem>>[vector<16xi32>], vector<16xf32>, vector<16xi1>
        %broadcast_in_dim3A_404 = vector.broadcast %scan3A_42 : i32 to vector<16xi32>
        %broadcast_in_dim3A_405 = vector.broadcast %add3A_401 : i32 to vector<16xi32>
        tpu.vector_store_idx %arg8[%broadcast_in_dim3A_404], %broadcast_in_dim3A_405 masked %eq3A_3 : memref<32xi32, #tpu.memory_space<vmem>>[vector<16xi32>], vector<16xi32>, vector<16xi1>
        %broadcast_in_dim3A_406 = vector.broadcast %add3A_401 : i32 to vector<16xi32>
        %broadcast_in_dim3A_407 = arith.constant 0xFF800000 : f32
        %broadcast_in_dim3A_408 = vector.broadcast %broadcast_in_dim3A_407 : f32 to vector<16xf32>
        tpu.vector_store_idx %arg4[%broadcast_in_dim3A_406], %broadcast_in_dim3A_408 masked %eq3A_3 : memref<32768xf32, #tpu.memory_space<vmem>>[vector<16xi32>], vector<16xf32>, vector<16xi1>
        %get3A_409 = arith.index_cast %mul3A_280 : i32 to index
        %get3A_410 = tpu.vector_load %arg4[%get3A_409] {strides = array<i32>} : memref<32768xf32, #tpu.memory_space<vmem>>, vector<16xf32>,
        %add3A_411 = arith.constant 16 : i32
        %add3A_412 = arith.addi %mul3A_280, %add3A_411 : i32
        %get3A_413 = arith.index_cast %add3A_412 : i32 to index
        %get3A_414 = tpu.vector_load %arg4[%get3A_413] {strides = array<i32>} : memref<32768xf32, #tpu.memory_space<vmem>>, vector<16xf32>,
        %max3A_415 = arith.maximumf %get3A_410, %get3A_414 : vector<16xf32>
        %add3A_416 = arith.constant 32 : i32
        %add3A_417 = arith.addi %mul3A_280, %add3A_416 : i32
        %get3A_418 = arith.index_cast %add3A_417 : i32 to index
        %get3A_419 = tpu.vector_load %arg4[%get3A_418] {strides = array<i32>} : memref<32768xf32, #tpu.memory_space<vmem>>, vector<16xf32>,
        %max3A_420 = arith.maximumf %max3A_415, %get3A_419 : vector<16xf32>
        %add3A_421 = arith.constant 48 : i32
        %add3A_422 = arith.addi %mul3A_280, %add3A_421 : i32
        %get3A_423 = arith.index_cast %add3A_422 : i32 to index
        %get3A_424 = tpu.vector_load %arg4[%get3A_423] {strides = array<i32>} : memref<32768xf32, #tpu.memory_space<vmem>>, vector<16xf32>,
        %max3A_425 = arith.maximumf %max3A_420, %get3A_424 : vector<16xf32>
        %add3A_426 = arith.constant 64 : i32
        %add3A_427 = arith.addi %mul3A_280, %add3A_426 : i32
        %get3A_428 = arith.index_cast %add3A_427 : i32 to index
        %get3A_429 = tpu.vector_load %arg4[%get3A_428] {strides = array<i32>} : memref<32768xf32, #tpu.memory_space<vmem>>, vector<16xf32>,
        %max3A_430 = arith.maximumf %max3A_425, %get3A_429 : vector<16xf32>
        %add3A_431 = arith.constant 80 : i32
        %add3A_432 = arith.addi %mul3A_280, %add3A_431 : i32
        %get3A_433 = arith.index_cast %add3A_432 : i32 to index
        %get3A_434 = tpu.vector_load %arg4[%get3A_433] {strides = array<i32>} : memref<32768xf32, #tpu.memory_space<vmem>>, vector<16xf32>,
        %max3A_435 = arith.maximumf %max3A_430, %get3A_434 : vector<16xf32>
        %add3A_436 = arith.constant 96 : i32
        %add3A_437 = arith.addi %mul3A_280, %add3A_436 : i32
        %get3A_438 = arith.index_cast %add3A_437 : i32 to index
        %get3A_439 = tpu.vector_load %arg4[%get3A_438] {strides = array<i32>} : memref<32768xf32, #tpu.memory_space<vmem>>, vector<16xf32>,
        %max3A_440 = arith.maximumf %max3A_435, %get3A_439 : vector<16xf32>
        %add3A_441 = arith.constant 112 : i32
        %add3A_442 = arith.addi %mul3A_280, %add3A_441 : i32
        %get3A_443 = arith.index_cast %add3A_442 : i32 to index
        %get3A_444 = tpu.vector_load %arg4[%get3A_443] {strides = array<i32>} : memref<32768xf32, #tpu.memory_space<vmem>>, vector<16xf32>,
        %max3A_445 = arith.maximumf %max3A_440, %get3A_444 : vector<16xf32>
        %broadcast_in_dim3A_446 = arith.constant true
        %broadcast_in_dim3A_447 = vector.broadcast %broadcast_in_dim3A_446 : i1 to vector<16xi1>
        %masked_cummax3A_448 = tpu.scan <max>, %max3A_445 masked %broadcast_in_dim3A_447 : vector<16xf32>, vector<16xi1> -> vector<16xf32>
        %slice3A_449 = vector.extract_strided_slice %masked_cummax3A_448 {offsets = [15], sizes = [1], strides = [1]} : vector<16xf32> to vector<1xf32>
        %squeeze3A_450 = vector.extract %slice3A_449[0] : f32 from vector<1xf32>
        %broadcast_in_dim3A_451 = vector.broadcast %neg3A_278 : i32 to vector<16xi32>
        %broadcast_in_dim3A_452 = vector.broadcast %squeeze3A_450 : f32 to vector<16xf32>
        tpu.vector_store_idx %arg6[%broadcast_in_dim3A_451], %broadcast_in_dim3A_452 masked %eq3A_3 : memref<256xf32, #tpu.memory_space<vmem>>[vector<16xi32>], vector<16xf32>, vector<16xi1>
      }
      %scan3A_30 = arith.constant 32 : i32
      %get3A = arith.constant 0 : index
      %get3A_31 = tpu.vector_load %arg8[%get3A] {strides = array<i32>} : memref<32xi32, #tpu.memory_space<vmem>>, vector<16xi32>,
      %get3A_32 = arith.constant 0 : index
      %get3A_33 = tpu.vector_load %arg7[%get3A_32] {strides = array<i32>} : memref<32xf32, #tpu.memory_space<vmem>>, vector<16xf32>,
      tpu.vector_store_idx %arg5[%get3A_31], %get3A_33 : memref<32768xf32, #tpu.memory_space<vmem>>[vector<16xi32>], vector<16xf32>,
      %get3A_34 = arith.constant 16 : index
      %get3A_35 = tpu.vector_load %arg8[%get3A_34] {strides = array<i32>} : memref<32xi32, #tpu.memory_space<vmem>>, vector<16xi32>,
      %get3A_36 = arith.constant 16 : index
      %get3A_37 = tpu.vector_load %arg7[%get3A_36] {strides = array<i32>} : memref<32xf32, #tpu.memory_space<vmem>>, vector<16xf32>,
      tpu.vector_store_idx %arg5[%get3A_35], %get3A_37 : memref<32768xf32, #tpu.memory_space<vmem>>[vector<16xi32>], vector<16xf32>,
      "tpu.region"() ({
        %run_scoped3A = tpu.sem_alloc : memref<!tpu.dma_semaphore, #tpu.memory_space<semaphore_mem>>
        %dma_start3A = arith.constant 0 : i32
        %dma_start3A_42 = tpu.memref_slice %arg3[%add3A_18, %dma_start3A] : memref<128x32768xf32, #tpu.memory_space<hbm>> -> memref<1x32768xf32, #tpu.memory_space<hbm>>
        %dma_start3A_43 = tpu.memref_squeeze %dma_start3A_42 : memref<1x32768xf32, #tpu.memory_space<hbm>> -> memref<32768xf32, #tpu.memory_space<hbm>>
        %dma_start3A_44 = arith.constant 0 : i32
        %dma_start3A_45 = tpu.memref_slice %arg3[%add3A_18, %dma_start3A_44] : memref<128x32768xf32, #tpu.memory_space<hbm>> -> memref<1x32768xf32, #tpu.memory_space<hbm>>
        %dma_start3A_46 = tpu.memref_squeeze %dma_start3A_45 : memref<1x32768xf32, #tpu.memory_space<hbm>> -> memref<32768xf32, #tpu.memory_space<hbm>>
        tpu.enqueue_dma source(%arg5 : memref<32768xf32, #tpu.memory_space<vmem>>) target(%dma_start3A_46 : memref<32768xf32, #tpu.memory_space<hbm>>) target_semaphore(%run_scoped3A : memref<!tpu.dma_semaphore, #tpu.memory_space<semaphore_mem>>)
        %dma_wait3A = arith.constant 0 : i32
        %dma_wait3A_47 = tpu.memref_slice %arg3[%add3A_18, %dma_wait3A] : memref<128x32768xf32, #tpu.memory_space<hbm>> -> memref<1x32768xf32, #tpu.memory_space<hbm>>
        %dma_wait3A_48 = tpu.memref_squeeze %dma_wait3A_47 : memref<1x32768xf32, #tpu.memory_space<hbm>> -> memref<32768xf32, #tpu.memory_space<hbm>>
        %dma_wait3A_49 = arith.constant 0 : i32
        %dma_wait3A_50 = tpu.memref_slice %arg3[%add3A_18, %dma_wait3A_49] : memref<128x32768xf32, #tpu.memory_space<hbm>> -> memref<1x32768xf32, #tpu.memory_space<hbm>>
        %dma_wait3A_51 = tpu.memref_squeeze %dma_wait3A_50 : memref<1x32768xf32, #tpu.memory_space<hbm>> -> memref<32768xf32, #tpu.memory_space<hbm>>
        tpu.wait_dma2 semaphore(%run_scoped3A : memref<!tpu.dma_semaphore, #tpu.memory_space<semaphore_mem>>) src(%arg5 : memref<32768xf32, #tpu.memory_space<vmem>>) dst(%dma_wait3A_51 : memref<32768xf32, #tpu.memory_space<hbm>>)
        tpu.yield
      }) : () -> ()
      %get3A_38 = arith.constant 0 : index
      %get3A_39 = tpu.vector_load %arg8[%get3A_38] {strides = array<i32>} : memref<32xi32, #tpu.memory_space<vmem>>, vector<16xi32>,
      tpu.vector_store_idx %arg5[%get3A_39], %broadcast_in_dim3A_1 : memref<32768xf32, #tpu.memory_space<vmem>>[vector<16xi32>], vector<16xf32>,
      %get3A_40 = arith.constant 16 : index
      %get3A_41 = tpu.vector_load %arg8[%get3A_40] {strides = array<i32>} : memref<32xi32, #tpu.memory_space<vmem>>, vector<16xi32>,
      tpu.vector_store_idx %arg5[%get3A_41], %broadcast_in_dim3A_1 : memref<32768xf32, #tpu.memory_space<vmem>>[vector<16xi32>], vector<16xf32>,
    }
    %scan3A_14 = arith.constant 4 : i32
    return
  }
}

module attributes {stable_mosaic.version = 14 : i64} {
  func.func @_enc_body(%arg0: i32, %arg1: memref<128x2048xf32, #tpu.memory_space<vmem>>, %arg2: memref<512x2048xf32, #tpu.memory_space<vmem>>, %arg3: memref<512xf32, #tpu.memory_space<vmem>>, %arg4: memref<128x512xf32, #tpu.memory_space<vmem>>) attributes {dimension_semantics = [#tpu.dimension_semantics<arbitrary>], iteration_bounds = array<i64: 64>, scalar_prefetch = 0 : i64, scratch_operands = 0 : i64, tpu.core_type = #tpu.core_type<tc>, window_params = [{pipeline_mode = #tpu.pipeline_mode<synchronous>, transform_indices = @transform_0, window_bounds = array<i64: 128, 2048>}, {transform_indices = @transform_1, window_bounds = array<i64: 512, 2048>}, {transform_indices = @transform_2, window_bounds = array<i64: 512>}, {transform_indices = @transform_3, window_bounds = array<i64: 128, 512>}]} {
    %get3A = arith.constant 0 : index
    %get3A_0 = arith.constant 0 : index
    %get3A_1 = vector.load %arg1[%get3A, %get3A_0] : memref<128x2048xf32, #tpu.memory_space<vmem>>, vector<128x2048xf32>
    %get3A_2 = arith.constant 0 : index
    %get3A_3 = arith.constant 0 : index
    %get3A_4 = vector.load %arg2[%get3A_2, %get3A_3] : memref<512x2048xf32, #tpu.memory_space<vmem>>, vector<512x2048xf32>
    %dot_general3A = arith.constant dense<0.000000e+00> : vector<128x512xf32>
    %dot_general3A_5 = tpu.matmul %get3A_1, %get3A_4, %dot_general3A {dimension_numbers = #tpu.dot_dimension_numbers<[1], [1], [0], [0], [0, 0, 1, 0], [], []>, transpose_lhs_hint = false} : vector<128x2048xf32>, vector<512x2048xf32>, vector<128x512xf32> -> vector<128x512xf32>
    %get3A_6 = arith.constant 0 : index
    %get3A_7 = vector.load %arg3[%get3A_6] : memref<512xf32, #tpu.memory_space<vmem>>, vector<512xf32>
    %broadcast_in_dim3A = vector.shape_cast %get3A_7 : vector<512xf32> to vector<1x512xf32>
    %add3A = vector.broadcast %broadcast_in_dim3A : vector<1x512xf32> to vector<128x512xf32>
    %add3A_8 = arith.addf %dot_general3A_5, %add3A : vector<128x512xf32>
    %swap3A = arith.constant 0 : index
    %swap3A_9 = arith.constant 0 : index
    %swap3A_10 = vector.load %arg4[%swap3A, %swap3A_9] : memref<128x512xf32, #tpu.memory_space<vmem>>, vector<128x512xf32>
    tpu.vector_store %arg4[%swap3A, %swap3A_9], %add3A_8 {strides = array<i32>} : memref<128x512xf32, #tpu.memory_space<vmem>>, vector<128x512xf32>,
    return
  }
  func.func @transform_0(%arg0: i32) -> (i32, i32) {
    %c0_i32 = arith.constant 0 : i32
    %c0_i32_0 = arith.constant 0 : i32
    %c0_i32_1 = arith.constant 0 : i32
    return %c0_i32, %c0_i32_0 : i32, i32
  }
  func.func @transform_1(%arg0: i32) -> (i32, i32) {
    %c0_i32 = arith.constant 0 : i32
    %c0_i32_0 = arith.constant 0 : i32
    return %arg0, %c0_i32 : i32, i32
  }
  func.func @transform_2(%arg0: i32) -> i32 {
    %c0_i32 = arith.constant 0 : i32
    return %arg0 : i32
  }
  func.func @transform_3(%arg0: i32) -> (i32, i32) {
    %c0_i32 = arith.constant 0 : i32
    %c0_i32_0 = arith.constant 0 : i32
    return %c0_i32, %arg0 : i32, i32
  }
}

module attributes {stable_mosaic.version = 14 : i64} {
  func.func @_dec_body(%arg0: i32, %arg1: memref<128x512xf32, #tpu.memory_space<vmem>>, %arg2: memref<2048x512xf32, #tpu.memory_space<vmem>>, %arg3: memref<128x2048xf32, #tpu.memory_space<vmem>>) attributes {dimension_semantics = [#tpu.dimension_semantics<arbitrary>], iteration_bounds = array<i64: 64>, scalar_prefetch = 0 : i64, scratch_operands = 0 : i64, tpu.core_type = #tpu.core_type<tc>, window_params = [{transform_indices = @transform_0, window_bounds = array<i64: 128, 512>}, {transform_indices = @transform_1, window_bounds = array<i64: 2048, 512>}, {pipeline_mode = #tpu.pipeline_mode<synchronous>, transform_indices = @transform_2, window_bounds = array<i64: 128, 2048>}]} {
    %get3A = arith.constant 0 : index
    %get3A_0 = arith.constant 0 : index
    %get3A_1 = vector.load %arg1[%get3A, %get3A_0] : memref<128x512xf32, #tpu.memory_space<vmem>>, vector<128x512xf32>
    %convert_element_type3A = arith.truncf %get3A_1 : vector<128x512xf32> to vector<128x512xbf16>
    %get3A_2 = arith.constant 0 : index
    %get3A_3 = arith.constant 0 : index
    %get3A_4 = vector.load %arg2[%get3A_2, %get3A_3] : memref<2048x512xf32, #tpu.memory_space<vmem>>, vector<2048x512xf32>
    %convert_element_type3A_5 = arith.truncf %get3A_4 : vector<2048x512xf32> to vector<2048x512xbf16>
    %dot_general3A = arith.constant dense<0.000000e+00> : vector<128x2048xf32>
    %dot_general3A_6 = tpu.matmul %convert_element_type3A, %convert_element_type3A_5, %dot_general3A {dimension_numbers = #tpu.dot_dimension_numbers<[1], [1], [0], [0], [0, 0, 1, 0], [], []>, transpose_lhs_hint = false} : vector<128x512xbf16>, vector<2048x512xbf16>, vector<128x2048xf32> -> vector<128x2048xf32>
    %eq3A = arith.constant 0 : i32
    %eq3A_7 = arith.cmpi eq, %arg0, %eq3A : i32
    %convert_element_type3A_8 = arith.extui %eq3A_7 : i1 to i32
    %cond3A = arith.constant 0 : i32
    %cond3A_9 = arith.cmpi ne, %convert_element_type3A_8, %cond3A : i32
    scf.if %cond3A_9 {
      %swap3A = arith.constant 0 : index
      %swap3A_14 = arith.constant 0 : index
      %swap3A_15 = vector.load %arg3[%swap3A, %swap3A_14] : memref<128x2048xf32, #tpu.memory_space<vmem>>, vector<128x2048xf32>
      tpu.vector_store %arg3[%swap3A, %swap3A_14], %dot_general3A_6 {strides = array<i32>} : memref<128x2048xf32, #tpu.memory_space<vmem>>, vector<128x2048xf32>,
    } else {
    }
    %ne3A = arith.constant 0 : i32
    %ne3A_10 = arith.cmpi ne, %arg0, %ne3A : i32
    %convert_element_type3A_11 = arith.extui %ne3A_10 : i1 to i32
    %cond3A_12 = arith.constant 0 : i32
    %cond3A_13 = arith.cmpi ne, %convert_element_type3A_11, %cond3A_12 : i32
    scf.if %cond3A_13 {
      %get3A_14 = arith.constant 0 : index
      %get3A_15 = arith.constant 0 : index
      %get3A_16 = vector.load %arg3[%get3A_14, %get3A_15] : memref<128x2048xf32, #tpu.memory_space<vmem>>, vector<128x2048xf32>
      %add3A = arith.addf %get3A_16, %dot_general3A_6 : vector<128x2048xf32>
      %swap3A = arith.constant 0 : index
      %swap3A_17 = arith.constant 0 : index
      %swap3A_18 = vector.load %arg3[%swap3A, %swap3A_17] : memref<128x2048xf32, #tpu.memory_space<vmem>>, vector<128x2048xf32>
      tpu.vector_store %arg3[%swap3A, %swap3A_17], %add3A {strides = array<i32>} : memref<128x2048xf32, #tpu.memory_space<vmem>>, vector<128x2048xf32>,
    } else {
    }
    return
  }
  func.func @transform_0(%arg0: i32) -> (i32, i32) {
    %c0_i32 = arith.constant 0 : i32
    %c0_i32_0 = arith.constant 0 : i32
    return %c0_i32, %arg0 : i32, i32
  }
  func.func @transform_1(%arg0: i32) -> (i32, i32) {
    %c0_i32 = arith.constant 0 : i32
    %c0_i32_0 = arith.constant 0 : i32
    return %c0_i32, %arg0 : i32, i32
  }
  func.func @transform_2(%arg0: i32) -> (i32, i32) {
    %c0_i32 = arith.constant 0 : i32
    %c0_i32_0 = arith.constant 0 : i32
    %c0_i32_1 = arith.constant 0 : i32
    return %c0_i32, %c0_i32_0 : i32, i32
  }
}

</mosaic_0001>

<sc_bundles>
// kernel: kernel.5.cloned.1.call-start
scs
__scs_entry_jumppad:
0x0: {  	(pc) =	sbr.rel $0x88, $3  }
0x1: {  	(tag) =	ssettag $0x0;
	lr =	simm.s32 $0x1  }
0x2: {  	[smem:$0x3F9D] =	sst lr;
	_ =	strace $0xD0000000  }
0x3: {  	_ = 	snop  }
0x4: {  	_ = 	snop  }
0x5: {  	_ = 	snop  }
0x6: {  	_ = 	snop  }
0x7: {  	_ = 	snop  }
__scs_overlays_trampoline_lowered:
0x8: {  	[smem:$0x3FAC] =	sst s0  }
0x9: {  	[smem:$0x3FAD] =	sst s1  }
0xa: {  	[smem:$0x3FAE] =	sst s2  }
0xb: {  	[smem:$0x3FAF] =	sst s3  }
0xc: {  	[smem:$0x3FB0] =	sst s4  }
0xd: {  	[smem:$0x3FB1] =	sst s5  }
0xe: {  	[smem:$0x3FB2] =	sst s6  }
0xf: {  	[smem:$0x3FB3] =	sst s7  }
0x10: {  	[smem:$0x3FB4] =	sst s8  }
0x11: {  	[smem:$0x3FB5] =	sst s9;
	s0 =	simm.s32 @!p0 $0x0  }
0x12: {  	s1 =	sld [smem:$0x3F9B];
	s0 =	simm.s32 @p0 $0x1  }
0x13: {  	[smem:$0x3FB6] =	sst s0;
	s0 =	simm.s32 @!p1 $0x0  }
0x14: {  	s2 =	sld [smem:$0x3F9A];
	s0 =	simm.s32 @p1 $0x1  }
0x15: {  	[smem:$0x3FB7] =	sst s0;
	s0 =	simm.s32 @!p2 $0x0  }
0x16: {  	s3 =	sld [smem:$0x3FDB];
	s0 =	simm.s32 @p2 $0x1  }
0x17: {  	s4 =	simm.s32 $0x1BF5;
	[smem:$0x3FB9] =	sst s0  }
0x18: {  	s0 =	sld [smem:$0x3F9C];
	_ =	swait.ge [sflag:s4], $0x0  }
0x19: {  	s7 =	sld [smem:$0x3F9D]  }
0x1a: {  	s8 =	sadd.s32 $0xFFFFE003, lr  }
0x1b: {  	s9 =	sadd.s32 $0xFFFFFEF7, lr;
	s5 =	simm.s32 $0xFFFFFFFF;
	p2 =	slt.u32 s8, $0xFFFFF086  }
0x1c: {  	p1 =	slt.u32 s9, $0xF7A;
	s5 =	simm.s32 @!p2 $0x0  }
0x1d: {  	s5 =	simm.s32 @p1 $0x1;
	p0 =	seq.s32 s7, s2  }
0x1e: {  	s7 =	smul.u32 @!p0 $0xF7A, s2;
	p2 =	seq.s32 @!p0 s5, $0x0  }
0x1f: {  	s9 =	smul.u32 $0xF7A, s1;
	s8 =	simm.s32 @!p0 $0x1BF5;
	p2 =	por !p2, p0  }
0x20: {  	[sflag:s8] =	ssyncset.s32 @!p0 $0xFFFFF086;
	s6 =	sadd.s32 @!p0 s3, s7;
	s7 =	simm.s32 @!p0 $0x108  }
0x21: {  	s3 =	sadd.s32 s3, s9;
	s6 =	sadd.s32 @!p0 $0x88, s6;
	s7 =	simm.s32 @p2 $0x1082  }
0x22: {  	[simem:s7], [sflag:s8] =	dma.local @!p0 [hbm:s6], $0xF7A  }
0x23: {  	s9 =	sor.u32 $0xD0000000, s2;
	s6 =	simm.s32 $0x108;
	_ =	swait.ge @!p0 [sflag:s8], $0x0  }
0x24: {  	s3 =	sadd.s32 $0x88, s3;
	s6 =	simm.s32 @!p1 $0x1082;
	[sflag:s4] =	ssyncset.s32 $0xFFFFF086  }
0x25: {  	[simem:s6], [sflag:s4] =	dma.local [hbm:s3], $0xF7A  }
0x26: {  	[smem:$0x3F9D] =	sst s1;
	(tag) =	ssettag s2;
	_ =	strace s9  }
0x27: {  	s1 =	sld [smem:$0x3FAD]  }
0x28: {  	s2 =	sld [smem:$0x3FAE]  }
0x29: {  	s4 =	sld [smem:$0x3FB0]  }
0x2a: {  	p0 =	seq.s32 s5, $0x0;
	s5 =	sld [smem:$0x3FB1]  }
0x2b: {  	s6 =	sld [smem:$0x3FB2]  }
0x2c: {  	s7 =	sld [smem:$0x3FB3]  }
0x2d: {  	s3 =	simm.s32 $0x108;
	s8 =	sld [smem:$0x3FB4]  }
0x2e: {  	s3 =	simm.s32 @!p0 $0x1082;
	s9 =	sld [smem:$0x3FB5]  }
0x2f: {  	lr =	sadd.s32 s0, s3;
	s0 =	sld [smem:$0x3FAC]  }
0x30: {  	s3 =	sld [smem:$0x3FAF]  }
0x31: {  	[smem:$0x3FB8] =	sst s10  }
0x32: {  	s10 =	sld [smem:$0x3FB6];
	_ =	sdelay $0x3  }
0x33: {  	p0 =	seq.s32 s10, $0x1;
	s10 =	sld [smem:$0x3FB8];
	_ =	sdelay $0x3  }
0x34: {  	[smem:$0x3FB8] =	sst s10  }
0x35: {  	s10 =	sld [smem:$0x3FB7];
	_ =	sdelay $0x3  }
0x36: {  	p1 =	seq.s32 s10, $0x1;
	s10 =	sld [smem:$0x3FB8];
	_ =	sdelay $0x3  }
0x37: {  	[smem:$0x3FB8] =	sst s10  }
0x38: {  	s10 =	sld [smem:$0x3FB9]  }
0x39: {  	_ = 	snop;
	(pc) =	sbr.ind lr, $3  }
0x3a: {  	_ = 	snop  }
0x3b: {  	_ = 	snop  }
0x3c: {  	p2 =	seq.s32 s10, $0x1;
	s10 =	sld [smem:$0x3FB8]  }
0x3d: {  	_ =	shalt  }
0x3e: {  	_ =	shalt  }
0x3f: {  	_ =	shalt  }
0x40: {  	_ =	shalt  }
0x41: {  	_ =	shalt  }
0x42: {  	_ =	shalt  }
0x43: {  	_ =	shalt  }
0x44: {  	_ =	shalt  }
0x45: {  	_ =	shalt  }
0x46: {  	_ =	shalt  }
0x47: {  	_ =	shalt  }
0x48: {  	_ =	shalt  }
0x49: {  	_ =	shalt  }
0x4a: {  	_ =	shalt  }
0x4b: {  	_ =	shalt  }
0x4c: {  	_ =	shalt  }
0x4d: {  	_ =	shalt  }
0x4e: {  	_ =	shalt  }
0x4f: {  	_ =	shalt  }
0x50: {  	_ =	shalt  }
0x51: {  	_ =	shalt  }
0x52: {  	_ =	shalt  }
0x53: {  	_ =	shalt  }
0x54: {  	_ =	shalt  }
0x55: {  	_ =	shalt  }
0x56: {  	_ =	shalt  }
0x57: {  	_ =	shalt  }
0x58: {  	_ =	shalt  }
0x59: {  	_ =	shalt  }
0x5a: {  	_ =	shalt  }
0x5b: {  	_ =	shalt  }
0x5c: {  	_ =	shalt  }
0x5d: {  	_ =	shalt  }
0x5e: {  	_ =	shalt  }
0x5f: {  	_ =	shalt  }
0x60: {  	_ =	shalt  }
0x61: {  	_ =	shalt  }
0x62: {  	_ =	shalt  }
0x63: {  	_ =	shalt  }
0x64: {  	_ =	shalt  }
0x65: {  	_ =	shalt  }
0x66: {  	_ =	shalt  }
0x67: {  	_ =	shalt  }
0x68: {  	_ =	shalt  }
0x69: {  	_ =	shalt  }
0x6a: {  	_ =	shalt  }
0x6b: {  	_ =	shalt  }
0x6c: {  	_ =	shalt  }
0x6d: {  	_ =	shalt  }
0x6e: {  	_ =	shalt  }
0x6f: {  	_ =	shalt  }
0x70: {  	_ =	shalt  }
0x71: {  	_ =	shalt  }
0x72: {  	_ =	shalt  }
0x73: {  	_ =	shalt  }
0x74: {  	_ =	shalt  }
0x75: {  	_ =	shalt  }
0x76: {  	_ =	shalt  }
0x77: {  	_ =	shalt  }
0x78: {  	_ =	shalt  }
0x79: {  	_ =	shalt  }
0x7a: {  	_ =	shalt  }
0x7b: {  	_ =	shalt  }
0x7c: {  	_ =	shalt  }
0x7d: {  	_ =	shalt  }
0x7e: {  	_ =	shalt  }
0x7f: {  	_ =	shalt  }
0x80: {  	_ =	shalt  }
0x81: {  	_ =	shalt  }
0x82: {  	_ =	shalt  }
0x83: {  	_ =	shalt  }
0x84: {  	_ =	shalt  }
0x85: {  	_ =	shalt  }
0x86: {  	_ =	shalt  }
0x87: {  	_ =	shalt  }
.Lfunc_end0:
.L_simem_size_0:
called_computation_lowered:
.L_overlay_start_0:
0x88: {  	s2 =	sld [smem:$0x3FD9]  }
0x89: {  	s3 =	sld [smem:$0x3FFE];
	_ =	sdelay $0x1  }
0x8a: {  	s1 =	srdreg.scid  }
0x8b: {  	s0 =	sand.u32 $0x1, s1  }
0x8c: {  	s14 =	sshll.u32 s0, $0xA;
	s2 =	sadd.s32 s3, s2  }
0x8d: {  	s2 =	sadd.s32 s2, s14  }
0x8e: {  	[smem:$0x3FC4] =	sst s2  }
0x8f: {  	_ = 	snop  }
0x90: {  	s2 =	sld [smem:$0x3FD0];
	_ =	sdelay $0x2  }
0x91: {  	s15 =	simm.s32 $0xA;
	s4 =	simm.s32 $0x10  }
0x92: {  	[smem:s4], [sflag:s15] =	dma.local [hbm:s2], $0x1  }
0x93: {  	_ =	swait.eq [sflag:s15], $0x1  }
0x94: {  	[sflag:s15] =	ssyncset.done $0x0  }
0x95: {  	[sflag:s15] =	ssyncadd.s32 $0xFFFFFFFF  }
0x96: {  	s16 =	sld [smem:$0x11];
	(tm) =	ssettm $0x1  }
0x97: {  	s17 =	sld [smem:$0x3FFB];
	_ =	sdelay $0x3  }
0x98: {  	_ =	strace s17  }
0x99: {  	s3 =	sld [smem:$0x3FFC];
	_ =	sdelay $0x3  }
0x9a: {  	_ =	strace s3  }
0x9b: {  	s3 =	sld [smem:$0x3FFD];
	_ =	sdelay $0x3  }
0x9c: {  	_ =	strace s3  }
0x9d: {  	_ =	strace $0x8FFFFFFF  }
0x9e: {  	s18 =	sld [smem:$0x3FDB];
	_ =	sdelay $0x1  }
0x9f: {  	s19 =	simm.s32 $_scs_section_size  }
0xa0: {  	s5 =	simm.s32 $_size__tile_overlayer_lowered;
	s6 =	simm.s32 $_tile_overlayer_lowered  }
0xa1: {  	s22 =	simm.s32 $0x1BFF;
	s21 =	sshll.u32 s6, $0x1;
	s3 =	sadd.s32 s19, s18  }
0xa2: {  	s7 =	simm.s32 $0x0;
	s20 =	sshll.u32 s5, $0x1;
	s5 =	sadd.s32 s21, s3  }
0xa3: {  	[timem:s7], [sflag:s22] =	dma.local [hbm:s5], s20  }
0xa4: {  	_ =	swait.ge [sflag:s22], s20  }
0xa5: {  	s4 =	ssub.s32 $0x0, s20;
	[sflag:s22] =	ssyncset.done $0x0  }
0xa6: {  	[sflag:s22] =	ssyncadd.s32 s4;
	_ =	sdelay $0x1  }
0xa7: {  	s23 =	simm.s32 $0x1B8B  }
0xa8: {  	_ =	swait.ge [sflag:s23], $0x1  }
0xa9: {  	[sflag:s23] =	ssyncset.done $0x0  }
0xaa: {  	s25 =	simm.s32 $0x1B8E;
	s24 =	sld [smem:$0x3FFE];
	[sflag:s23] =	ssyncadd.s32 $0xFFFFFFFF  }
0xab: {  	s26 =	simm.s32 $execute0_lowered;
	[smem:$0x3FD2] =	sst s25  }
0xac: {  	s5 =	sshll.u32 s26, $0x1;
	_ =	strace $0x80000046;
	[dreg:$0x1] =	wrdreg $0xFFFFFFFF  }
0xad: {  	s28 =	simm.s32 $_size_execute0_lowered;
	s3 =	sadd.s32 s3, s5;
	[dreg:$0x0] =	wrdreg $0x0  }
0xae: {  	s5 =	sshll.u32 s28, $0x1;
	[dreg:$0x2] =	wrdreg s3  }
0xaf: {  	[dreg:$0x3] =	wrdreg s5  }
0xb0: {  	[dreg:$0x4] =	wrdreg $0xC0  }
0xb1: {  	_ =	task [dreg:s7], $0x5FFFF  }
0xb2: {  	[dreg:$0x1] =	wrdreg $0xFFFFFFFF  }
0xb3: {  	[dreg:$0x0] =	wrdreg $0x60  }
0xb4: {  	[dreg:$0x2] =	wrdreg s24  }
0xb5: {  	[dreg:$0x3] =	wrdreg s16  }
0xb6: {  	[dreg:$0x4] =	wrdreg $0x9  }
0xb7: {  	_ =	task.clear_ibuf [dreg:s7], $0x5FFFF;
	_ =	strace $0x90000046  }
0xb8: {  	s29 =	simm.s32 $0x9;
	_ =	strace $0x80000048  }
0xb9: {  	_ =	swait.ge [sflag:s29], $0x1  }
0xba: {  	[sflag:s29] =	ssyncadd.s32 $0xFFFFFFFF  }
0xbb: {  	_ =	strace $0x90000048  }
0xbc: {  	_ =	sfence  }
0xbd: {  	s30 =	sld [smem:$0x0];
	_ =	sdelay $0x2  }
0xbe: {  	s31 =	sshll.u32 s1, $0xD;
	s1 =	sshrl.u32 s1, $0x2  }
0xbf: {  	s3 =	sand.u32 $0x4000, s31;
	s1 =	sadd.s32 s1, s30  }
0xc0: {  	s0 =	sor.u32 s3, s0;
	s1 =	sshll.u32 s1, $0x11  }
0xc1: {  	s0 =	sor.u32 s1, s0  }
0xc2: {  	s0 =	sadd.s32 $0x8F2B, s0  }
0xc3: {  	[sflag:s0] =	ssyncadd.remote.s32 $0x1  }
0xc4: {  	_ =	sfence.sel $0xFFFF  }
0xc5: {  	[dreg:$0x0] =	wrdreg $0xFFFFFFFF;
	(pc) =	sbr.abs _section_cstart, $3  }
0xc6: {  	[dreg:$0x1] =	wrdreg $0xFFFFFFFF  }
0xc7: {  	_ =	task.clear_ibuf [dreg:s7], $0x2FFFF;
	_ =	strace $0x9FFFFFFF  }
0xc8: {  	(tm) =	ssettm $0x7FFFFFFF  }
0xc9: {  	_ =	shalt  }
tec
execute0_lowered:
.L_overlay_start_1:
0x0: {  	(tag) =	ssettag $0x1  }
0x1: {  	s3 =	rddreg [dreg:$0x0]  }
0x2: {  	s1 =	rddreg [dreg:$0x1]  }
0x3: {  	s0 =	rddreg [dreg:$0x2];
	s2 =	simm.s32 $0x0  }
0x4: {  	v0 =	vlaneseq.u32;
	s5 =	srdreg.scid;
	s10 =	simm.s32 $0x10000;
	s11 =	simm.s32 $0x10100  }
0x5: {  	s12 =	simm.s32 $0x10180;
	s13 =	simm.s32 $0x8000;
	[smem:$0x7FF] =	sst s2;
	v16 =	vmul.u32 $0xFFFFFFFF, v0  }
0x6: {  	v17 =	vimm.f32 $-Inf;
	s4 =	sadd.s32 $0xC00, s3;
	s3 =	stileid.u32;
	s6 =	sand.u32 $0x1, s5  }
0x7: {  	v12 =	vimm.f32 $0.0e+00;
	s5 =	simm.s32 $0x400;
	_ =	strace $0x80000047;
	s7 =	sshll.u32 s3, $0xF;
	v0 =	vadd.s32 $0x7FFFFF10, v16  }
0x8: {  	v1 =	vadd.s32 $0x7FFFFF20, v16;
	v2 =	vadd.s32 $0x7FFFFF30, v16;
	v3 =	vadd.s32 $0x7FFFFF40, v16  }
0x9: {  	s8 =	ssub.s32 $0x2, s6;
	v4 =	vadd.s32 $0x7FFFFF50, v16;
	v5 =	vadd.s32 $0x7FFFFF60, v16;
	v6 =	vadd.s32 $0x7FFFFF70, v16  }
0xa: {  	s6 =	sshll.u32 s6, $0x6;
	s9 =	sshrl.u32 s8, $0x1;
	v7 =	vadd.s32 $0x7FFFFF80, v16;
	v8 =	vadd.s32 $0x7FFFFF90, v16;
	v9 =	vadd.s32 $0x7FFFFFA0, v16  }
0xb: {  	s14 =	simm.s32 $0x0;
	s6 =	sor.u32 s7, s6;
	v10 =	vadd.s32 $0x7FFFFFB0, v16;
	v11 =	vadd.s32 $0x7FFFFFC0, v16;
	v13 =	vadd.s32 $0x7FFFFFD0, v16;
	s8 =	ssub.s32 s8, s9  }
0xc: {  	v14 =	vadd.s32 $0x7FFFFFE0, v16;
	v15 =	vadd.s32 $0x7FFFFFF0, v16;
	v16 =	vadd.s32 $0x80000000, v16;
	s9 =	simm.s32 $0x1;
	s7 =	smax.u32 s8, $0x1;
	s8 =	simm.s32 $0x80  }
.LBB2_1:
0xd: {  	s15 =	simm.s32 $0x40;
	s16 =	simm.s32 $0x0  }
.LBB2_2:
0xe: {  	p0 =	sne.s32 s15, $0x1FFC0;
	[tilespmem:s16+$0x8000] =	vst v12;
	s16 =	smov.u32 s15;
	s15 =	sadd.s32 $0x40, s15  }
.Ltmp0:
0xf: {  	(pc) =	sbr.rel @p0 .LBB2_2-.Ltmp0, $2  }
0x10: {  	_ =	sdelay $0x2  }
0x11: {  	s16 =	sshra.s32 s16, $0x2  }
0x12: {  	[tilespmem:s16+$0x8000] =	vst v12;
	s15 =	simm.s32 $0x0;
	s16 =	simm.s32 $0x0  }
.LBB2_4:
0x13: {  	s17 =	sshll.u32 s16, $0x4  }
0x14: {  	s17 =	sadd.s32 s6, s17  }
0x15: {  	s18 =	sadd.s32 s4, s17  }
0x16: {  	[tilespmem:s15], [sflag:$0x1] =	stream.strided.gather [hbm4b:s18+s8], $0x8000, s5, s8, $0x38;
	[tilespmem:$0x10200] =	vst v63  }
0x17: {  	_ =	swait.ge [sflag:s9], $0x8000  }
0x18: {  	[sflag:s9] =	ssyncset.done $0x0  }
0x19: {  	s19 =	simm.s32 $0x40;
	[sflag:s9] =	ssyncadd.s32 $0xFFFF8000  }
0x1a: {  	v18 =	vld [tilespmem:s19+$0xFFFFFFD0]  }
0x1b: {  	s20 =	simm.s32 $0x1;
	s18 =	simm.s32 $0x0;
	v19 =	vld [tilespmem:s19+$0xFFFFFFC0]  }
.LBB2_5:
0x1c: {  	p0 =	sne.s32 s20, $0xFF;
	v20 =	vld [tilespmem:s19+$0xFFFFFFE0]  }
0x1d: {  	v21 =	vld [tilespmem:s19+$0xFFFFFFF0]  }
0x1e: {  	v22 =	vld [tilespmem:s19+$0x0]  }
0x1f: {  	v23 =	vld [tilespmem:s19+$0x10]  }
0x20: {  	v18 =	vmax.f32 v19, v18;
	v19 =	vld [tilespmem:s19+$0x20]  }
0x21: {  	v18 =	vmax.f32 v18, v20;
	v20 =	vld [tilespmem:s19+$0x30]  }
0x22: {  	v18 =	vmax.f32 v18, v21  }
0x23: {  	v18 =	vmax.f32 v18, v22  }
0x24: {  	v18 =	vmax.f32 v18, v23  }
0x25: {  	v18 =	vmax.f32 v18, v19  }
0x26: {  	v18 =	vmax.f32 v18, v20  }
0x27: {  	(xrf0) =	vmax.scan.msk.f32 $0xffff, v18;
	_ =	sdelay $0x3  }
0x28: {  	v18 =	vmov s18;
	s18 =	smov.u32 s20;
	_ =	sdelay $0x1  }
0x29: {  	v19, _, _ =	vpop (xrf0)  }
.Ltmp1:
0x2a: {  	v19 =	vbroadcast v19, $0xF;
	(pc) =	sbr.rel @p0 .LBB2_5-.Ltmp1, $4  }
0x2b: {  	_ = 	snop  }
0x2c: {  	s19 =	sadd.s32 $0x80, s19;
	[tilespmem:v18+s10+$0x0] =	vst.idx.msk $0x1, v19  }
0x2d: {  	v18 =	vld [tilespmem:s19+$0xFFFFFFD0]  }
0x2e: {  	s20 =	sadd.s32 $0x1, s20;
	v19 =	vld [tilespmem:s19+$0xFFFFFFC0]  }
0x2f: {  	v20 =	vld [tilespmem:s19+$0xFFFFFFE0]  }
0x30: {  	v21 =	vld [tilespmem:s19+$0xFFFFFFF0]  }
0x31: {  	v22 =	vld [tilespmem:s19+$0x0]  }
0x32: {  	v23 =	vld [tilespmem:s19+$0x10]  }
0x33: {  	v18 =	vmax.f32 v19, v18;
	v19 =	vld [tilespmem:s19+$0x20]  }
0x34: {  	v18 =	vmax.f32 v18, v20;
	v20 =	vld [tilespmem:s19+$0x30]  }
0x35: {  	v18 =	vmax.f32 v18, v21  }
0x36: {  	v18 =	vmax.f32 v18, v22  }
0x37: {  	v18 =	vmax.f32 v18, v23  }
0x38: {  	v18 =	vmax.f32 v18, v19  }
0x39: {  	v18 =	vmax.f32 v18, v20  }
0x3a: {  	(xrf0) =	vmax.scan.msk.f32 $0xffff, v18;
	_ =	sdelay $0x3  }
0x3b: {  	v18 =	vmov s18;
	_ =	sdelay $0x1  }
0x3c: {  	v19, _, _ =	vpop (xrf0)  }
0x3d: {  	v19 =	vbroadcast v19, $0xF;
	_ =	sdelay $0x1  }
0x3e: {  	[tilespmem:v18+s10+$0x0] =	vst.idx.msk $0x1, v19  }
0x3f: {  	v18 =	vld [tilespmem:$0x10000]  }
0x40: {  	v19 =	vld [tilespmem:$0x10010]  }
0x41: {  	v20 =	vld [tilespmem:$0x10020]  }
0x42: {  	v42 =	vld [tilespmem:$0x10030]  }
0x43: {  	v43 =	vld [tilespmem:$0x10040]  }
0x44: {  	v44 =	vld [tilespmem:$0x10050]  }
0x45: {  	v25 =	vld [tilespmem:$0x10060];
	v24 =	vmax.f32 v18, v19  }
0x46: {  	v26 =	vld [tilespmem:$0x10070];
	v24 =	vmax.f32 v24, v20  }
0x47: {  	v27 =	vld [tilespmem:$0x10080];
	v24 =	vmax.f32 v24, v42  }
0x48: {  	v28 =	vld [tilespmem:$0x10090];
	v24 =	vmax.f32 v24, v43  }
0x49: {  	v29 =	vld [tilespmem:$0x100A0];
	v24 =	vmax.f32 v24, v44  }
0x4a: {  	v30 =	vld [tilespmem:$0x100B0];
	v24 =	vmax.f32 v24, v25  }
0x4b: {  	v31 =	vld [tilespmem:$0x100C0];
	v24 =	vmax.f32 v24, v26  }
0x4c: {  	v32 =	vld [tilespmem:$0x100D0];
	v24 =	vmax.f32 v24, v27  }
0x4d: {  	v33 =	vld [tilespmem:$0x100E0];
	v24 =	vmax.f32 v24, v28  }
0x4e: {  	v34 =	vld [tilespmem:$0x100F0];
	v24 =	vmax.f32 v24, v29  }
0x4f: {  	v24 =	vmax.f32 v24, v30  }
0x50: {  	v24 =	vmax.f32 v24, v31  }
0x51: {  	v24 =	vmax.f32 v24, v32  }
0x52: {  	v24 =	vmax.f32 v24, v33  }
0x53: {  	v24 =	vmax.f32 v24, v34  }
0x54: {  	(xrf0) =	vmax.scan.msk.f32 $0xffff, v24;
	_ =	sdelay $0x5  }
0x55: {  	v24, _, _ =	vpop (xrf0)  }
0x56: {  	v24 =	vbroadcast v24, $0xF;
	_ =	sdelay $0x1  }
0x57: {  	vm0 =	veq.f32 v34, v24  }
0x58: {  	vm1 =	veq.f32 v33, v24;
	v45 =	vnsel vm0, $0x7FFFFF00, v0  }
0x59: {  	vm6 =	veq.f32 v32, v24;
	v46 =	vsel vm1, v1, v45  }
0x5a: {  	vm7 =	veq.f32 v31, v24;
	v47 =	vsel vm6, v2, v46  }
0x5b: {  	vm8 =	veq.f32 v30, v24;
	v48 =	vsel vm7, v3, v47  }
0x5c: {  	vm9 =	veq.f32 v29, v24;
	v49 =	vsel vm8, v4, v48  }
0x5d: {  	vm10 =	veq.f32 v28, v24;
	v50 =	vsel vm9, v5, v49  }
0x5e: {  	vm11 =	veq.f32 v27, v24;
	v51 =	vsel vm10, v6, v50  }
0x5f: {  	vm12 =	veq.f32 v26, v24;
	v52 =	vsel vm11, v7, v51  }
0x60: {  	vm13 =	veq.f32 v25, v24;
	v53 =	vsel vm12, v8, v52  }
0x61: {  	vm14 =	veq.f32 v44, v24;
	v54 =	vsel vm13, v9, v53  }
0x62: {  	vm15 =	veq.f32 v43, v24;
	v55 =	vsel vm14, v10, v54  }
0x63: {  	vm4 =	veq.f32 v42, v24;
	v56 =	vsel vm15, v11, v55  }
0x64: {  	vm5 =	veq.f32 v20, v24;
	v20 =	vsel vm4, v13, v56  }
0x65: {  	vm6 =	veq.f32 v19, v24;
	v19 =	vsel vm5, v14, v20  }
0x66: {  	vm7 =	veq.f32 v18, v24;
	v18 =	vsel vm6, v15, v19  }
0x67: {  	v18 =	vsel vm7, v16, v18  }
0x68: {  	(xrf0) =	vmax.scan.msk.u32 $0xffff, v18;
	_ =	sdelay $0x5  }
0x69: {  	v18, _, _ =	vpop (xrf0)  }
0x6a: {  	(v2sf) =	vpush v18, $0xF;
	_ =	sdelay $0xe  }
0x6b: {  	s30 =	spop (v2sf)  }
0x6c: {  	s18 =	sxor.u32 $0x7FFFFFFF, s30  }
0x6d: {  	s31 =	sadd.s32 $0x1, s18  }
0x6e: {  	s18 =	sshll.u32 s31, $0x9  }
0x6f: {  	s18 =	sshra.s32 s18, $0x2  }
0x70: {  	v18 =	vld [tilespmem:s18+$0x70]  }
0x71: {  	v19 =	vld [tilespmem:s18+$0x60]  }
0x72: {  	v20 =	vld [tilespmem:s18+$0x50]  }
0x73: {  	v57 =	vld [tilespmem:s18+$0x40]  }
0x74: {  	v58 =	vld [tilespmem:s18+$0x30]  }
0x75: {  	v59 =	vld [tilespmem:s18+$0x20];
	vm8 =	veq.f32 v18, v24  }
0x76: {  	v18 =	vld [tilespmem:s18+$0x10];
	vm9 =	veq.f32 v19, v24;
	v19 =	vnsel vm8, $0x7FFF8000, v8  }
0x77: {  	v60 =	vld [tilespmem:s18+$0x0];
	vm10 =	veq.f32 v20, v24;
	v19 =	vsel vm9, v9, v19  }
0x78: {  	vm11 =	veq.f32 v57, v24;
	v19 =	vsel vm10, v10, v19  }
0x79: {  	vm12 =	veq.f32 v58, v24;
	v19 =	vsel vm11, v11, v19  }
0x7a: {  	vm13 =	veq.f32 v59, v24;
	v19 =	vsel vm12, v13, v19  }
0x7b: {  	vm14 =	veq.f32 v18, v24;
	v18 =	vsel vm13, v14, v19  }
0x7c: {  	vm15 =	veq.f32 v60, v24;
	v18 =	vsel vm14, v15, v18  }
0x7d: {  	v18 =	vsel vm15, v16, v18  }
0x7e: {  	(xrf0) =	vmax.scan.msk.u32 $0xffff, v18;
	_ =	sdelay $0x5  }
0x7f: {  	v18, _, _ =	vpop (xrf0)  }
0x80: {  	(v2sf) =	vpush v18, $0xF;
	_ =	sdelay $0xe  }
0x81: {  	s20 =	spop (v2sf)  }
0x82: {  	s21 =	simm.s32 $0x0;
	s22 =	sshll.u32 s31, $0x7;
	s20 =	sxor.u32 $0x7FFFFFFF, s20  }
0x83: {  	v18 =	vmov s21;
	s20 =	sadd.s32 s22, s20  }
0x84: {  	s20 =	sadd.s32 $0x1, s20  }
0x85: {  	v19 =	vmov s20;
	_ =	sdelay $0x2  }
0x86: {  	[tilespmem:v18+s11+$0x0] =	vst.idx.msk $0x1, v24  }
0x87: {  	[tilespmem:v18+s12+$0x0] =	vst.idx.msk $0x1, v19  }
0x88: {  	[tilespmem:v19+s2+$0x0] =	vst.idx.msk $0x1, v17  }
0x89: {  	v18 =	vld [tilespmem:s18+$0x0]  }
0x8a: {  	v19 =	vld [tilespmem:s18+$0x10]  }
0x8b: {  	v20 =	vld [tilespmem:s18+$0x20]  }
0x8c: {  	v61 =	vld [tilespmem:s18+$0x30]  }
0x8d: {  	v62 =	vld [tilespmem:s18+$0x40]  }
0x8e: {  	v63 =	vld [tilespmem:s18+$0x50]  }
0x8f: {  	v24 =	vld [tilespmem:s18+$0x60];
	v18 =	vmax.f32 v18, v19  }
0x90: {  	v19 =	vld [tilespmem:s18+$0x70];
	v18 =	vmax.f32 v18, v20  }
0x91: {  	v18 =	vmax.f32 v18, v61  }
0x92: {  	v18 =	vmax.f32 v18, v62  }
0x93: {  	v18 =	vmax.f32 v18, v63  }
0x94: {  	v18 =	vmax.f32 v18, v24  }
0x95: {  	v18 =	vmax.f32 v18, v19  }
0x96: {  	(xrf0) =	vmax.scan.msk.f32 $0xffff, v18;
	_ =	sdelay $0x3  }
0x97: {  	v18 =	vmov s31;
	_ =	sdelay $0x1  }
0x98: {  	s18 =	simm.s32 $0x1;
	v19, _, _ =	vpop (xrf0)  }
.LBB2_7:
0x99: {  	p0 =	sne.s32 s18, $0x1F;
	v19 =	vbroadcast v19, $0xF;
	s19 =	smov.u32 s18;
	s18 =	sadd.s32 $0x1, s18  }
0x9a: {  	_ = 	snop  }
0x9b: {  	[tilespmem:v18+s10+$0x0] =	vst.idx.msk $0x1, v19  }
0x9c: {  	v18 =	vld [tilespmem:$0x10000]  }
0x9d: {  	v19 =	vld [tilespmem:$0x10010]  }
0x9e: {  	v20 =	vld [tilespmem:$0x10020]  }
0x9f: {  	v21 =	vld [tilespmem:$0x10030]  }
0xa0: {  	v22 =	vld [tilespmem:$0x10040]  }
0xa1: {  	v23 =	vld [tilespmem:$0x10050]  }
0xa2: {  	v24 =	vmax.f32 v18, v19;
	v25 =	vld [tilespmem:$0x10060]  }
0xa3: {  	v24 =	vmax.f32 v24, v20;
	v26 =	vld [tilespmem:$0x10070]  }
0xa4: {  	v24 =	vmax.f32 v24, v21;
	v27 =	vld [tilespmem:$0x10080]  }
0xa5: {  	v24 =	vmax.f32 v24, v22;
	v28 =	vld [tilespmem:$0x10090]  }
0xa6: {  	v24 =	vmax.f32 v24, v23;
	v29 =	vld [tilespmem:$0x100A0]  }
0xa7: {  	v24 =	vmax.f32 v24, v25;
	v30 =	vld [tilespmem:$0x100B0]  }
0xa8: {  	v24 =	vmax.f32 v24, v26;
	v31 =	vld [tilespmem:$0x100C0]  }
0xa9: {  	v24 =	vmax.f32 v24, v27;
	v32 =	vld [tilespmem:$0x100D0]  }
0xaa: {  	v24 =	vmax.f32 v24, v28;
	v33 =	vld [tilespmem:$0x100E0]  }
0xab: {  	v24 =	vmax.f32 v24, v29;
	v34 =	vld [tilespmem:$0x100F0]  }
0xac: {  	v24 =	vmax.f32 v24, v30  }
0xad: {  	v24 =	vmax.f32 v24, v31  }
0xae: {  	v24 =	vmax.f32 v24, v32  }
0xaf: {  	v24 =	vmax.f32 v24, v33  }
0xb0: {  	v24 =	vmax.f32 v24, v34  }
0xb1: {  	(xrf0) =	vmax.scan.msk.f32 $0xffff, v24;
	_ =	sdelay $0x5  }
0xb2: {  	v24, _, _ =	vpop (xrf0)  }
0xb3: {  	v24 =	vbroadcast v24, $0xF;
	_ =	sdelay $0x1  }
0xb4: {  	vm0 =	veq.f32 v25, v24;
	vm2 =	veq.f32 v26, v24;
	vm3 =	veq.f32 v34, v24  }
0xb5: {  	vm1 =	veq.f32 v23, v24;
	vm4 =	veq.f32 v33, v24;
	v23 =	vnsel vm3, $0x7FFFFF00, v0  }
0xb6: {  	vm5 =	veq.f32 v32, v24;
	vm3 =	veq.f32 v22, v24;
	v22 =	vsel vm4, v1, v23  }
0xb7: {  	vm6 =	veq.f32 v31, v24;
	vm4 =	veq.f32 v21, v24;
	v21 =	vsel vm5, v2, v22  }
0xb8: {  	vm7 =	veq.f32 v30, v24;
	vm5 =	veq.f32 v20, v24;
	v20 =	vsel vm6, v3, v21  }
0xb9: {  	vm8 =	veq.f32 v29, v24;
	vm6 =	veq.f32 v19, v24;
	v19 =	vsel vm7, v4, v20  }
0xba: {  	vm9 =	veq.f32 v28, v24;
	vm7 =	veq.f32 v18, v24;
	v18 =	vsel vm8, v5, v19  }
0xbb: {  	vm8 =	veq.f32 v27, v24;
	v18 =	vsel vm9, v6, v18  }
0xbc: {  	v18 =	vsel vm8, v7, v18  }
0xbd: {  	v18 =	vsel vm2, v8, v18  }
0xbe: {  	v18 =	vsel vm0, v9, v18  }
0xbf: {  	v18 =	vsel vm1, v10, v18  }
0xc0: {  	v18 =	vsel vm3, v11, v18  }
0xc1: {  	v18 =	vsel vm4, v13, v18  }
0xc2: {  	v18 =	vsel vm5, v14, v18  }
0xc3: {  	v18 =	vsel vm6, v15, v18  }
0xc4: {  	v18 =	vsel vm7, v16, v18  }
0xc5: {  	(xrf0) =	vmax.scan.msk.u32 $0xffff, v18;
	_ =	sdelay $0x5  }
0xc6: {  	v18, _, _ =	vpop (xrf0)  }
0xc7: {  	(v2sf) =	vpush v18, $0xF;
	_ =	sdelay $0xe  }
0xc8: {  	s20 =	spop (v2sf)  }
0xc9: {  	s20 =	sxor.u32 $0x7FFFFFFF, s20  }
0xca: {  	s20 =	sadd.s32 $0x1, s20  }
0xcb: {  	s21 =	sshll.u32 s20, $0x9  }
0xcc: {  	s21 =	sshra.s32 s21, $0x2  }
0xcd: {  	v18 =	vld [tilespmem:s21+$0x70]  }
0xce: {  	v19 =	vld [tilespmem:s21+$0x60]  }
0xcf: {  	v20 =	vld [tilespmem:s21+$0x50]  }
0xd0: {  	v22 =	vmov s19;
	v21 =	vld [tilespmem:s21+$0x40]  }
0xd1: {  	v23 =	vld [tilespmem:s21+$0x30]  }
0xd2: {  	v25 =	vld [tilespmem:s21+$0x20];
	vm0 =	veq.f32 v18, v24  }
0xd3: {  	v18 =	vld [tilespmem:s21+$0x10];
	vm1 =	veq.f32 v19, v24;
	v19 =	vnsel vm0, $0x7FFF8000, v8  }
0xd4: {  	v26 =	vld [tilespmem:s21+$0x0];
	vm0 =	veq.f32 v20, v24;
	v19 =	vsel vm1, v9, v19  }
0xd5: {  	vm1 =	veq.f32 v21, v24;
	v19 =	vsel vm0, v10, v19;
	[tilespmem:v22+s11+$0x0] =	vst.idx.msk $0x1, v24  }
0xd6: {  	vm0 =	veq.f32 v23, v24;
	v19 =	vsel vm1, v11, v19  }
0xd7: {  	vm1 =	veq.f32 v25, v24;
	v19 =	vsel vm0, v13, v19  }
0xd8: {  	vm0 =	veq.f32 v18, v24;
	v18 =	vsel vm1, v14, v19  }
0xd9: {  	vm1 =	veq.f32 v26, v24;
	v18 =	vsel vm0, v15, v18  }
0xda: {  	v18 =	vsel vm1, v16, v18  }
0xdb: {  	(xrf0) =	vmax.scan.msk.u32 $0xffff, v18;
	_ =	sdelay $0x5  }
0xdc: {  	v18, _, _ =	vpop (xrf0)  }
0xdd: {  	(v2sf) =	vpush v18, $0xF;
	_ =	sdelay $0xe  }
0xde: {  	s19 =	spop (v2sf)  }
0xdf: {  	s22 =	sshll.u32 s20, $0x7;
	s19 =	sxor.u32 $0x7FFFFFFF, s19  }
0xe0: {  	s19 =	sadd.s32 s22, s19  }
0xe1: {  	s19 =	sadd.s32 $0x1, s19  }
0xe2: {  	v18 =	vmov s19  }
0xe3: {  	[tilespmem:v22+s12+$0x0] =	vst.idx.msk $0x1, v18;
	_ =	sdelay $0x3  }
0xe4: {  	[tilespmem:v18+s2+$0x0] =	vst.idx.msk $0x1, v17  }
0xe5: {  	v18 =	vld [tilespmem:s21+$0x20]  }
0xe6: {  	v19 =	vld [tilespmem:s21+$0x0]  }
0xe7: {  	v20 =	vld [tilespmem:s21+$0x10]  }
0xe8: {  	v21 =	vld [tilespmem:s21+$0x30]  }
0xe9: {  	v22 =	vld [tilespmem:s21+$0x40]  }
0xea: {  	v23 =	vld [tilespmem:s21+$0x50]  }
0xeb: {  	v24 =	vld [tilespmem:s21+$0x60]  }
0xec: {  	v19 =	vmax.f32 v19, v20;
	v20 =	vld [tilespmem:s21+$0x70]  }
0xed: {  	v18 =	vmax.f32 v19, v18  }
0xee: {  	v18 =	vmax.f32 v18, v21  }
0xef: {  	v18 =	vmax.f32 v18, v22  }
0xf0: {  	v18 =	vmax.f32 v18, v23  }
0xf1: {  	v18 =	vmax.f32 v18, v24  }
0xf2: {  	v18 =	vmax.f32 v18, v20  }
0xf3: {  	(xrf0) =	vmax.scan.msk.f32 $0xffff, v18;
	_ =	sdelay $0x1  }
.Ltmp2:
0xf4: {  	(pc) =	sbr.rel @p0 .LBB2_7-.Ltmp2, $2  }
0xf5: {  	v18 =	vmov s20;
	_ =	sdelay $0x2  }
0xf6: {  	v19, _, _ =	vpop (xrf0)  }
0xf7: {  	_ =	sdelay $0x1  }
0xf8: {  	v19 =	vbroadcast v19, $0xF;
	_ =	sdelay $0x1  }
0xf9: {  	[tilespmem:v18+s10+$0x0] =	vst.idx.msk $0x1, v19  }
0xfa: {  	v18 =	vld [tilespmem:$0x10180];
	_ =	sdelay $0x2  }
0xfb: {  	v19 =	vld [tilespmem:$0x10100];
	_ =	sdelay $0x4  }
0xfc: {  	[tilespmem:v18+s13+$0x0] =	vst.idx.msk $0xffff, v19  }
0xfd: {  	v18 =	vld [tilespmem:$0x10190];
	_ =	sdelay $0x2  }
0xfe: {  	v19 =	vld [tilespmem:$0x10110];
	_ =	sdelay $0x4  }
0xff: {  	s17 =	sadd.s32 s1, s17;
	[tilespmem:v18+s13+$0x0] =	vst.idx.msk $0xffff, v19  }
0x100: {  	[hbm4b:s17+s8] =	stream.strided.scatter [tilespmem:s13], [sflag:$0x1], $0x8000, s5, s8, $0x38;
	[tilespmem:$0x10200] =	vst v63  }
0x101: {  	_ =	swait.ge [sflag:s9], $0x8000  }
0x102: {  	[sflag:s9] =	ssyncset.done $0x0  }
0x103: {  	[sflag:s9] =	ssyncadd.s32 $0xFFFF8000  }
0x104: {  	v18 =	vld [tilespmem:$0x10180];
	_ =	sdelay $0x7  }
0x105: {  	[tilespmem:v18+s13+$0x0] =	vst.idx.msk $0xffff, v12  }
0x106: {  	v18 =	vld [tilespmem:$0x10190];
	_ =	sdelay $0x1  }
0x107: {  	s16 =	sadd.s32 $0x1, s16  }
0x108: {  	p0 =	sne.s32 s16, $0x4  }
.Ltmp3:
0x109: {  	_ = 	snop;
	(pc) =	sbr.rel @p0 .LBB2_4-.Ltmp3, $2  }
0x10a: {  	_ =	sdelay $0x2  }
0x10b: {  	[tilespmem:v18+s13+$0x0] =	vst.idx.msk $0xffff, v12  }
0x10c: {  	s14 =	sadd.s32 $0x1, s14  }
0x10d: {  	p0 =	sne.s32 s14, s7  }
.Ltmp4:
0x10e: {  	_ = 	snop;
	(pc) =	sbr.rel @p0 .LBB2_1-.Ltmp4, $1  }
0x10f: {  	_ =	sdelay $0x3  }
0x110: {  	_ =	sfence.sel $0x180000  }
0x111: {  	[bflag:$0x0] =	sbarrier.arrive $0xFFFF  }
0x112: {  	p0 =	sne.s32 s3, $0x0;
	_ =	strace $0x90000047  }
0x113: {  	s0 =	sadd.s32 @!p0 $0x100000, s0;
	[bflag:$0x2] =	sbarrier.arrive $0xFFFF  }
0x114: {  	[sflag:s0] =	ssyncadd.tile.s32 @!p0 $0x1;
	_ =	shalt  }
.Lfunc_end2:
_tile_overlayer_lowered:
.L_overlay_start_2:
0x115: {  	(tag) =	ssettag $0x2  }
0x116: {  	s0 =	rddreg [dreg:$0x0];
	s2 =	stileid.u32  }
0x117: {  	s1 =	rddreg [dreg:$0x1];
	p0 =	sne.s32 s2, $0x0  }
0x118: {  	s3 =	rddreg [dreg:$0x2];
	[bflag:$0x3] =	sbarrier.arrive $0xFFFF;
	s2 =	simm.s32 @!p0 $0x1C01  }
0x119: {  	[timem:s3], [sflag:s2] =	dma.local @!p0 [hbm:s0], s1  }
0x11a: {  	s0 =	simm.s32 @!p0 $0x1  }
0x11b: {  	_ =	swait.ge @!p0 [sflag:s0], s1  }
0x11c: {  	s1 =	ssub.s32 @!p0 $0x0, s1;
	[sflag:s0] =	ssyncset.done @!p0 $0x0  }
0x11d: {  	[sflag:s0] =	ssyncadd.s32 @!p0 s1  }
0x11e: {  	[bflag:$0x3] =	sbarrier.arrive $0xFFFF  }
0x11f: {  	_ =	shalt  }

</sc_bundles>
